<compile_context>
chip_gen: v7x
topology: tpu7x:2x2x1
jax: 0.10.2.dev20260603
libtpu: 0.0.44.dev20260713+nightly
codegen_flags: <defaults>
</compile_context>

<pallas_src>
import jax
import jax.numpy as jnp
from jax import lax
from jax.experimental import pallas as pl
from jax.experimental.pallas import tpu as pltpu
from jax.experimental.pallas import tpu_sc as plsc

N = 10000
E = 320000
D = 128
CH = D // 2
NC = 2
NS = 16
NW = NC * NS
EW = E // NW
ES = E // NS
C = 100
NCHUNK = ES // C
RV = N // NS
ZROWS = 125

_mesh = plsc.VectorSubcoreMesh(core_axis_name="c", subcore_axis_name="s")


def _deg_body(src_hbm, dst_hbm, degs_hbm, degd_hbm, idx_v, deg_v):
    wid = lax.axis_index("s") * NC + lax.axis_index("c")
    ones16 = jnp.full((16,), 1.0, dtype=jnp.float32)
    zeros16 = jnp.zeros((16,), dtype=jnp.float32)
    for arr_hbm, out_hbm in ((src_hbm, degs_hbm), (dst_hbm, degd_hbm)):
        @pl.loop(0, N // 16)
        def _(i):
            deg_v[pl.ds(i * 16, 16)] = zeros16

        pltpu.sync_copy(arr_hbm.at[wid], idx_v)

        @pl.loop(0, EW // 16)
        def _(j):
            plsc.addupdate_scatter(deg_v, [idx_v[j]], ones16)

        pltpu.sync_copy(deg_v, out_hbm.at[wid])


_deg_kernel = pl.kernel(
    _deg_body,
    out_type=[
        jax.ShapeDtypeStruct((NW, N), jnp.float32),
        jax.ShapeDtypeStruct((NW, N), jnp.float32),
    ],
    mesh=_mesh,
    scratch_types=[
        pltpu.VMEM((EW // 16, 16), jnp.int32),
        pltpu.VMEM((N,), jnp.float32),
    ],
    compiler_params=pltpu.CompilerParams(needs_layout_passes=False),
)


def _prescale_body(x_ref, degt_ref, feat_ref):
    deg = jnp.sum(degt_ref[...], axis=1, keepdims=True)
    norm = lax.rsqrt(jnp.maximum(deg, 1.0))
    y = x_ref[...] * norm
    feat_ref[0:N, :] = y[:, :CH]
    feat_ref[N:2 * N, :] = y[:, CH:]


_prescale = pl.pallas_call(
    _prescale_body,
    out_shape=jax.ShapeDtypeStruct((2 * N, CH), jnp.float32),
)


def _agg_body(feat_hbm, srcr_hbm, dstr_hbm, aggp_hbm,
              sidx_v, didx_v, rows0_v, rows1_v, rows2_v, rows3_v, zbuf_v,
              agg_sh, sem0, sem1, sem2, sem3):
    cid = lax.axis_index("c")
    sid = lax.axis_index("s")
    zeros16 = jnp.zeros((16,), dtype=jnp.float32)

    @pl.loop(0, ZROWS)
    def _(r):
        @pl.loop(0, CH // 16)
        def _(c):
            zbuf_v[r, pl.ds(c * 16, 16)] = zeros16

    @pl.loop(0, RV // ZROWS)
    def _(k):
        pltpu.sync_copy(zbuf_v, agg_sh.at[pl.ds(sid * RV + k * ZROWS, ZROWS)])

    pltpu.sync_copy(srcr_hbm.at[cid * NS + sid], sidx_v)
    pltpu.sync_copy(dstr_hbm.at[sid], didx_v)
    plsc.subcore_barrier()

    bufs = (rows0_v, rows1_v, rows2_v, rows3_v)
    sems = (sem0, sem1, sem2, sem3)

    @pl.loop(0, NCHUNK, step=4)
    def _(j):
        descs = [
            pltpu.async_copy(feat_hbm.at[sidx_v.at[j + k]], bufs[k], sems[k])
            for k in range(4)
        ]
        for k in range(4):
            descs[k].wait()
            pltpu.sync_copy(bufs[k], agg_sh.at[didx_v.at[j + k]], add=True)

    plsc.subcore_barrier()

    @pl.loop(0, RV // ZROWS)
    def _(k):
        pltpu.sync_copy(agg_sh.at[pl.ds(sid * RV + k * ZROWS, ZROWS)], zbuf_v)
        pltpu.sync_copy(
            zbuf_v, aggp_hbm.at[pl.ds(cid * N + sid * RV + k * ZROWS, ZROWS)])


_agg_kernel = pl.kernel(
    _agg_body,
    out_type=jax.ShapeDtypeStruct((NC * N, CH), jnp.float32),
    mesh=_mesh,
    scratch_types=[
        pltpu.VMEM((NCHUNK, C), jnp.int32),
        pltpu.VMEM((NCHUNK, C), jnp.int32),
        pltpu.VMEM((C, CH), jnp.float32),
        pltpu.VMEM((C, CH), jnp.float32),
        pltpu.VMEM((C, CH), jnp.float32),
        pltpu.VMEM((C, CH), jnp.float32),
        pltpu.VMEM((ZROWS, CH), jnp.float32),
        pltpu.VMEM_SHARED((N, CH), jnp.float32),
        pltpu.SemaphoreType.DMA,
        pltpu.SemaphoreType.DMA,
        pltpu.SemaphoreType.DMA,
        pltpu.SemaphoreType.DMA,
    ],
    compiler_params=pltpu.CompilerParams(
        needs_layout_passes=False, use_tc_tiling_on_sc=False),
)


def _final_body(aggp_ref, degt_ref, w_ref, b_ref, out_ref):
    agg = jnp.concatenate([aggp_ref[0:N, :], aggp_ref[N:2 * N, :]], axis=1)
    deg = jnp.sum(degt_ref[...], axis=1, keepdims=True)
    norm = lax.rsqrt(jnp.maximum(deg, 1.0))
    rst = agg * norm
    out_ref[...] = (
        jnp.dot(rst, w_ref[...], preferred_element_type=jnp.float32)
        + b_ref[...]
    )


_final = pl.pallas_call(
    _final_body,
    out_shape=jax.ShapeDtypeStruct((N, D), jnp.float32),
)


@jax.jit
def kernel(x, edge_index, W, b):
    src = edge_index[0]
    dst = edge_index[1]
    src_a = src.reshape(NW, EW // 16, 16)
    dst_a = dst.reshape(NW, EW // 16, 16)
    degp_src, degp_dst = _deg_kernel(src_a, dst_a)
    feat = _prescale(x, degp_src.T)
    src_c = jnp.stack([src, src + N]).reshape(NC * NS, NCHUNK, C)
    dst_c = dst.reshape(NS, NCHUNK, C)
    aggp = _agg_kernel(feat, src_c, dst_c)
    return _final(aggp, degp_dst.T, W, b.reshape(1, D))

# --- scband reference (transcript-rebuilt; emitter-appended) ---
"""Pipeline reference for scband-relation-op-73693048864902 (READ-ONLY COPY).

The authoritative reference and input builder live on the scoring server;
editing this copy changes nothing except your own understanding.
"""

import jax, jax.numpy as jnp
import numpy as np

N_NODES = 10000
N_EDGES = 320000
D = 128

def setup_inputs(seed: int = 0) -> dict:
    key = jax.random.key(seed)
    k1, k2, k3 = jax.random.split(key, 3)
    x = jax.random.normal(k1, (N_NODES, D), dtype=jnp.float32)
    edge_index = jax.random.randint(k2, (2, N_EDGES), 0, N_NODES, dtype=jnp.int32)
    # GraphConv learned params: weight (in_feats, out_feats) and bias (out_feats,)
    W = jax.random.normal(k3, (D, D), dtype=jnp.float32) * (1.0 / np.sqrt(D))
    b = jnp.zeros((D,), dtype=jnp.float32)
    return {"x": x, "edge_index": edge_index, "W": W, "b": b}

def reference(x, edge_index, W, b):
    # Faithful translation of DGL GraphConv(norm='both', allow_zero_in_degree=True)
    # with in_feats == out_feats -> aggregate first, then matmul with weight.
    src = edge_index[0]
    dst = edge_index[1]
    n = x.shape[0]
    ones = jnp.ones((src.shape[0],), dtype=x.dtype)
    out_deg = jnp.zeros((n,), dtype=x.dtype).at[src].add(ones)
    in_deg = jnp.zeros((n,), dtype=x.dtype).at[dst].add(ones)
    norm_src = jnp.power(jnp.clip(out_deg, 1.0, None), -0.5)
    norm_dst = jnp.power(jnp.clip(in_deg, 1.0, None), -0.5)
    feat_src = x * norm_src[:, None]
    msgs = jnp.take(feat_src, src, axis=0)  # gather along edges
    agg = jnp.zeros((n, x.shape[1]), dtype=x.dtype).at[dst].add(msgs)  # scatter-add
    rst = agg * norm_dst[:, None]
    rst = rst @ W + b
    return rst

if False:  # reference __main__ guard neutralized (emitter)
    inp = setup_inputs()
    out = reference(**inp)
    print(out.shape, out.dtype)

if __name__ == "__main__":
    import jax
    _d = setup_inputs()
    print(jax.jit(kernel)(*tuple(_d.values())))

</pallas_src>

<mosaic_0001>
#map = affine_map<(d0, d1) -> (0, 0, 0)>
#map1 = affine_map<(d0, d1) -> (0, 0)>
module attributes {stable_mosaic.version = 14 : i64} {
  func.func @_deg_body(%arg0: i32, %arg1: i32, %arg2: memref<32x625x16xi32, #tpu.memory_space<hbm>>, %arg3: memref<32x625x16xi32, #tpu.memory_space<hbm>>, %arg4: memref<32x10000xf32, #tpu.memory_space<hbm>>, %arg5: memref<32x10000xf32, #tpu.memory_space<hbm>>, %arg6: memref<625x16xi32, #tpu.memory_space<vmem>>, %arg7: memref<10000xf32, #tpu.memory_space<vmem>>) attributes {dimension_semantics = [#tpu.dimension_semantics<core_parallel>, #tpu.dimension_semantics<subcore_parallel>], iteration_bounds = array<i64: 2, 16>, scalar_prefetch = 0 : i64, scratch_operands = 2 : i64, tpu.core_type = #tpu.core_type<sc_vector_subcore>, window_params = [{transform_indices = #map}, {transform_indices = #map}, {transform_indices = #map1}, {transform_indices = #map1}]} {
    %mul3A = arith.constant 2 : i32
    %mul3A_0 = arith.muli %arg1, %mul3A : i32
    %add3A = arith.addi %mul3A_0, %arg0 : i32
    %broadcast_in_dim3A = arith.constant 1.000000e+00 : f32
    %broadcast_in_dim3A_1 = vector.broadcast %broadcast_in_dim3A : f32 to vector<16xf32>
    %broadcast_in_dim3A_2 = arith.constant 0.000000e+00 : f32
    %broadcast_in_dim3A_3 = vector.broadcast %broadcast_in_dim3A_2 : f32 to vector<16xf32>
    %scan3A = arith.constant 0 : i32
    %scan3A_4 = arith.constant 625 : i32
    %scan3A_5 = arith.addi %scan3A, %scan3A_4 : i32
    %scan3A_6 = arith.constant 1 : i32
    scf.for %scan3A_23 = %scan3A to %scan3A_5 step %scan3A_6  : i32 {
      %mul3A_24 = arith.constant 1 : i32
      %mul3A_25 = arith.muli %scan3A_23, %mul3A_24 : i32
      %add3A_26 = arith.constant 0 : i32
      %add3A_27 = arith.addi %add3A_26, %mul3A_25 : i32
      %mul3A_28 = arith.constant 16 : i32
      %mul3A_29 = arith.muli %add3A_27, %mul3A_28 : i32
      %swap3A = arith.index_cast %mul3A_29 : i32 to index
      %swap3A_30 = tpu.vector_load %arg7[%swap3A] {strides = array<i32>} : memref<10000xf32, #tpu.memory_space<vmem>>, vector<16xf32>,
      tpu.vector_store %arg7[%swap3A], %broadcast_in_dim3A_3 {strides = array<i32>} : memref<10000xf32, #tpu.memory_space<vmem>>, vector<16xf32>,
    }
    %scan3A_7 = arith.constant 625 : i32
    "tpu.region"() ({
      %run_scoped3A = tpu.sem_alloc : memref<!tpu.dma_semaphore, #tpu.memory_space<semaphore_mem>>
      %dma_start3A = arith.constant 0 : i32
      %dma_start3A_23 = arith.constant 0 : i32
      %dma_start3A_24 = tpu.memref_slice %arg2[%add3A, %dma_start3A, %dma_start3A_23] : memref<32x625x16xi32, #tpu.memory_space<hbm>> -> memref<1x625x16xi32, #tpu.memory_space<hbm>>
      %dma_start3A_25 = tpu.memref_squeeze %dma_start3A_24 : memref<1x625x16xi32, #tpu.memory_space<hbm>> -> memref<625x16xi32, #tpu.memory_space<hbm>>
      %dma_start3A_26 = arith.constant 0 : i32
      %dma_start3A_27 = arith.constant 0 : i32
      %dma_start3A_28 = tpu.memref_slice %arg2[%add3A, %dma_start3A_26, %dma_start3A_27] : memref<32x625x16xi32, #tpu.memory_space<hbm>> -> memref<1x625x16xi32, #tpu.memory_space<hbm>>
      %dma_start3A_29 = tpu.memref_squeeze %dma_start3A_28 : memref<1x625x16xi32, #tpu.memory_space<hbm>> -> memref<625x16xi32, #tpu.memory_space<hbm>>
      tpu.enqueue_dma source(%dma_start3A_29 : memref<625x16xi32, #tpu.memory_space<hbm>>) target(%arg6 : memref<625x16xi32, #tpu.memory_space<vmem>>) target_semaphore(%run_scoped3A : memref<!tpu.dma_semaphore, #tpu.memory_space<semaphore_mem>>)
      %dma_wait3A = arith.constant 0 : i32
      %dma_wait3A_30 = arith.constant 0 : i32
      %dma_wait3A_31 = tpu.memref_slice %arg2[%add3A, %dma_wait3A, %dma_wait3A_30] : memref<32x625x16xi32, #tpu.memory_space<hbm>> -> memref<1x625x16xi32, #tpu.memory_space<hbm>>
      %dma_wait3A_32 = tpu.memref_squeeze %dma_wait3A_31 : memref<1x625x16xi32, #tpu.memory_space<hbm>> -> memref<625x16xi32, #tpu.memory_space<hbm>>
      %dma_wait3A_33 = arith.constant 0 : i32
      %dma_wait3A_34 = arith.constant 0 : i32
      %dma_wait3A_35 = tpu.memref_slice %arg2[%add3A, %dma_wait3A_33, %dma_wait3A_34] : memref<32x625x16xi32, #tpu.memory_space<hbm>> -> memref<1x625x16xi32, #tpu.memory_space<hbm>>
      %dma_wait3A_36 = tpu.memref_squeeze %dma_wait3A_35 : memref<1x625x16xi32, #tpu.memory_space<hbm>> -> memref<625x16xi32, #tpu.memory_space<hbm>>
      tpu.wait_dma2 semaphore(%run_scoped3A : memref<!tpu.dma_semaphore, #tpu.memory_space<semaphore_mem>>) src(%dma_wait3A_36 : memref<625x16xi32, #tpu.memory_space<hbm>>) dst(%arg6 : memref<625x16xi32, #tpu.memory_space<vmem>>)
      tpu.yield
    }) : () -> ()
    %scan3A_8 = arith.constant 0 : i32
    %scan3A_9 = arith.constant 625 : i32
    %scan3A_10 = arith.addi %scan3A_8, %scan3A_9 : i32
    %scan3A_11 = arith.constant 1 : i32
    scf.for %scan3A_23 = %scan3A_8 to %scan3A_10 step %scan3A_11  : i32 {
      %mul3A_24 = arith.constant 1 : i32
      %mul3A_25 = arith.muli %scan3A_23, %mul3A_24 : i32
      %add3A_26 = arith.constant 0 : i32
      %add3A_27 = arith.addi %add3A_26, %mul3A_25 : i32
      %get3A = arith.index_cast %add3A_27 : i32 to index
      %get3A_28 = arith.constant 0 : index
      %get3A_29 = tpu.vector_load %arg6[%get3A, %get3A_28] {strides = array<i32>} : memref<625x16xi32, #tpu.memory_space<vmem>>, vector<16xi32>,
      tpu.vector_store_idx %arg7[%get3A_29], %broadcast_in_dim3A_1 {add = true} : memref<10000xf32, #tpu.memory_space<vmem>>[vector<16xi32>], vector<16xf32>,
    }
    %scan3A_12 = arith.constant 625 : i32
    "tpu.region"() ({
      %run_scoped3A = tpu.sem_alloc : memref<!tpu.dma_semaphore, #tpu.memory_space<semaphore_mem>>
      %dma_start3A = arith.constant 0 : i32
      %dma_start3A_23 = tpu.memref_slice %arg4[%add3A, %dma_start3A] : memref<32x10000xf32, #tpu.memory_space<hbm>> -> memref<1x10000xf32, #tpu.memory_space<hbm>>
      %dma_start3A_24 = tpu.memref_squeeze %dma_start3A_23 : memref<1x10000xf32, #tpu.memory_space<hbm>> -> memref<10000xf32, #tpu.memory_space<hbm>>
      %dma_start3A_25 = arith.constant 0 : i32
      %dma_start3A_26 = tpu.memref_slice %arg4[%add3A, %dma_start3A_25] : memref<32x10000xf32, #tpu.memory_space<hbm>> -> memref<1x10000xf32, #tpu.memory_space<hbm>>
      %dma_start3A_27 = tpu.memref_squeeze %dma_start3A_26 : memref<1x10000xf32, #tpu.memory_space<hbm>> -> memref<10000xf32, #tpu.memory_space<hbm>>
      tpu.enqueue_dma source(%arg7 : memref<10000xf32, #tpu.memory_space<vmem>>) target(%dma_start3A_27 : memref<10000xf32, #tpu.memory_space<hbm>>) target_semaphore(%run_scoped3A : memref<!tpu.dma_semaphore, #tpu.memory_space<semaphore_mem>>)
      %dma_wait3A = arith.constant 0 : i32
      %dma_wait3A_28 = tpu.memref_slice %arg4[%add3A, %dma_wait3A] : memref<32x10000xf32, #tpu.memory_space<hbm>> -> memref<1x10000xf32, #tpu.memory_space<hbm>>
      %dma_wait3A_29 = tpu.memref_squeeze %dma_wait3A_28 : memref<1x10000xf32, #tpu.memory_space<hbm>> -> memref<10000xf32, #tpu.memory_space<hbm>>
      %dma_wait3A_30 = arith.constant 0 : i32
      %dma_wait3A_31 = tpu.memref_slice %arg4[%add3A, %dma_wait3A_30] : memref<32x10000xf32, #tpu.memory_space<hbm>> -> memref<1x10000xf32, #tpu.memory_space<hbm>>
      %dma_wait3A_32 = tpu.memref_squeeze %dma_wait3A_31 : memref<1x10000xf32, #tpu.memory_space<hbm>> -> memref<10000xf32, #tpu.memory_space<hbm>>
      tpu.wait_dma2 semaphore(%run_scoped3A : memref<!tpu.dma_semaphore, #tpu.memory_space<semaphore_mem>>) src(%arg7 : memref<10000xf32, #tpu.memory_space<vmem>>) dst(%dma_wait3A_32 : memref<10000xf32, #tpu.memory_space<hbm>>)
      tpu.yield
    }) : () -> ()
    %scan3A_13 = arith.constant 0 : i32
    %scan3A_14 = arith.constant 625 : i32
    %scan3A_15 = arith.addi %scan3A_13, %scan3A_14 : i32
    %scan3A_16 = arith.constant 1 : i32
    scf.for %scan3A_23 = %scan3A_13 to %scan3A_15 step %scan3A_16  : i32 {
      %mul3A_24 = arith.constant 1 : i32
      %mul3A_25 = arith.muli %scan3A_23, %mul3A_24 : i32
      %add3A_26 = arith.constant 0 : i32
      %add3A_27 = arith.addi %add3A_26, %mul3A_25 : i32
      %mul3A_28 = arith.constant 16 : i32
      %mul3A_29 = arith.muli %add3A_27, %mul3A_28 : i32
      %swap3A = arith.index_cast %mul3A_29 : i32 to index
      %swap3A_30 = tpu.vector_load %arg7[%swap3A] {strides = array<i32>} : memref<10000xf32, #tpu.memory_space<vmem>>, vector<16xf32>,
      tpu.vector_store %arg7[%swap3A], %broadcast_in_dim3A_3 {strides = array<i32>} : memref<10000xf32, #tpu.memory_space<vmem>>, vector<16xf32>,
    }
    %scan3A_17 = arith.constant 625 : i32
    "tpu.region"() ({
      %run_scoped3A = tpu.sem_alloc : memref<!tpu.dma_semaphore, #tpu.memory_space<semaphore_mem>>
      %dma_start3A = arith.constant 0 : i32
      %dma_start3A_23 = arith.constant 0 : i32
      %dma_start3A_24 = tpu.memref_slice %arg3[%add3A, %dma_start3A, %dma_start3A_23] : memref<32x625x16xi32, #tpu.memory_space<hbm>> -> memref<1x625x16xi32, #tpu.memory_space<hbm>>
      %dma_start3A_25 = tpu.memref_squeeze %dma_start3A_24 : memref<1x625x16xi32, #tpu.memory_space<hbm>> -> memref<625x16xi32, #tpu.memory_space<hbm>>
      %dma_start3A_26 = arith.constant 0 : i32
      %dma_start3A_27 = arith.constant 0 : i32
      %dma_start3A_28 = tpu.memref_slice %arg3[%add3A, %dma_start3A_26, %dma_start3A_27] : memref<32x625x16xi32, #tpu.memory_space<hbm>> -> memref<1x625x16xi32, #tpu.memory_space<hbm>>
      %dma_start3A_29 = tpu.memref_squeeze %dma_start3A_28 : memref<1x625x16xi32, #tpu.memory_space<hbm>> -> memref<625x16xi32, #tpu.memory_space<hbm>>
      tpu.enqueue_dma source(%dma_start3A_29 : memref<625x16xi32, #tpu.memory_space<hbm>>) target(%arg6 : memref<625x16xi32, #tpu.memory_space<vmem>>) target_semaphore(%run_scoped3A : memref<!tpu.dma_semaphore, #tpu.memory_space<semaphore_mem>>)
      %dma_wait3A = arith.constant 0 : i32
      %dma_wait3A_30 = arith.constant 0 : i32
      %dma_wait3A_31 = tpu.memref_slice %arg3[%add3A, %dma_wait3A, %dma_wait3A_30] : memref<32x625x16xi32, #tpu.memory_space<hbm>> -> memref<1x625x16xi32, #tpu.memory_space<hbm>>
      %dma_wait3A_32 = tpu.memref_squeeze %dma_wait3A_31 : memref<1x625x16xi32, #tpu.memory_space<hbm>> -> memref<625x16xi32, #tpu.memory_space<hbm>>
      %dma_wait3A_33 = arith.constant 0 : i32
      %dma_wait3A_34 = arith.constant 0 : i32
      %dma_wait3A_35 = tpu.memref_slice %arg3[%add3A, %dma_wait3A_33, %dma_wait3A_34] : memref<32x625x16xi32, #tpu.memory_space<hbm>> -> memref<1x625x16xi32, #tpu.memory_space<hbm>>
      %dma_wait3A_36 = tpu.memref_squeeze %dma_wait3A_35 : memref<1x625x16xi32, #tpu.memory_space<hbm>> -> memref<625x16xi32, #tpu.memory_space<hbm>>
      tpu.wait_dma2 semaphore(%run_scoped3A : memref<!tpu.dma_semaphore, #tpu.memory_space<semaphore_mem>>) src(%dma_wait3A_36 : memref<625x16xi32, #tpu.memory_space<hbm>>) dst(%arg6 : memref<625x16xi32, #tpu.memory_space<vmem>>)
      tpu.yield
    }) : () -> ()
    %scan3A_18 = arith.constant 0 : i32
    %scan3A_19 = arith.constant 625 : i32
    %scan3A_20 = arith.addi %scan3A_18, %scan3A_19 : i32
    %scan3A_21 = arith.constant 1 : i32
    scf.for %scan3A_23 = %scan3A_18 to %scan3A_20 step %scan3A_21  : i32 {
      %mul3A_24 = arith.constant 1 : i32
      %mul3A_25 = arith.muli %scan3A_23, %mul3A_24 : i32
      %add3A_26 = arith.constant 0 : i32
      %add3A_27 = arith.addi %add3A_26, %mul3A_25 : i32
      %get3A = arith.index_cast %add3A_27 : i32 to index
      %get3A_28 = arith.constant 0 : index
      %get3A_29 = tpu.vector_load %arg6[%get3A, %get3A_28] {strides = array<i32>} : memref<625x16xi32, #tpu.memory_space<vmem>>, vector<16xi32>,
      tpu.vector_store_idx %arg7[%get3A_29], %broadcast_in_dim3A_1 {add = true} : memref<10000xf32, #tpu.memory_space<vmem>>[vector<16xi32>], vector<16xf32>,
    }
    %scan3A_22 = arith.constant 625 : i32
    "tpu.region"() ({
      %run_scoped3A = tpu.sem_alloc : memref<!tpu.dma_semaphore, #tpu.memory_space<semaphore_mem>>
      %dma_start3A = arith.constant 0 : i32
      %dma_start3A_23 = tpu.memref_slice %arg5[%add3A, %dma_start3A] : memref<32x10000xf32, #tpu.memory_space<hbm>> -> memref<1x10000xf32, #tpu.memory_space<hbm>>
      %dma_start3A_24 = tpu.memref_squeeze %dma_start3A_23 : memref<1x10000xf32, #tpu.memory_space<hbm>> -> memref<10000xf32, #tpu.memory_space<hbm>>
      %dma_start3A_25 = arith.constant 0 : i32
      %dma_start3A_26 = tpu.memref_slice %arg5[%add3A, %dma_start3A_25] : memref<32x10000xf32, #tpu.memory_space<hbm>> -> memref<1x10000xf32, #tpu.memory_space<hbm>>
      %dma_start3A_27 = tpu.memref_squeeze %dma_start3A_26 : memref<1x10000xf32, #tpu.memory_space<hbm>> -> memref<10000xf32, #tpu.memory_space<hbm>>
      tpu.enqueue_dma source(%arg7 : memref<10000xf32, #tpu.memory_space<vmem>>) target(%dma_start3A_27 : memref<10000xf32, #tpu.memory_space<hbm>>) target_semaphore(%run_scoped3A : memref<!tpu.dma_semaphore, #tpu.memory_space<semaphore_mem>>)
      %dma_wait3A = arith.constant 0 : i32
      %dma_wait3A_28 = tpu.memref_slice %arg5[%add3A, %dma_wait3A] : memref<32x10000xf32, #tpu.memory_space<hbm>> -> memref<1x10000xf32, #tpu.memory_space<hbm>>
      %dma_wait3A_29 = tpu.memref_squeeze %dma_wait3A_28 : memref<1x10000xf32, #tpu.memory_space<hbm>> -> memref<10000xf32, #tpu.memory_space<hbm>>
      %dma_wait3A_30 = arith.constant 0 : i32
      %dma_wait3A_31 = tpu.memref_slice %arg5[%add3A, %dma_wait3A_30] : memref<32x10000xf32, #tpu.memory_space<hbm>> -> memref<1x10000xf32, #tpu.memory_space<hbm>>
      %dma_wait3A_32 = tpu.memref_squeeze %dma_wait3A_31 : memref<1x10000xf32, #tpu.memory_space<hbm>> -> memref<10000xf32, #tpu.memory_space<hbm>>
      tpu.wait_dma2 semaphore(%run_scoped3A : memref<!tpu.dma_semaphore, #tpu.memory_space<semaphore_mem>>) src(%arg7 : memref<10000xf32, #tpu.memory_space<vmem>>) dst(%dma_wait3A_32 : memref<10000xf32, #tpu.memory_space<hbm>>)
      tpu.yield
    }) : () -> ()
    return
  }
}

#map = affine_map<(d0, d1) -> (0, 0)>
#map1 = affine_map<(d0, d1) -> (0, 0, 0)>
module attributes {stable_mosaic.version = 14 : i64} {
  func.func @_agg_body(%arg0: i32, %arg1: i32, %arg2: memref<20000x64xf32, #tpu.memory_space<hbm>>, %arg3: memref<32x200x100xi32, #tpu.memory_space<hbm>>, %arg4: memref<16x200x100xi32, #tpu.memory_space<hbm>>, %arg5: memref<20000x64xf32, #tpu.memory_space<hbm>>, %arg6: memref<200x100xi32, #tpu.memory_space<vmem>>, %arg7: memref<200x100xi32, #tpu.memory_space<vmem>>, %arg8: memref<100x64xf32, #tpu.memory_space<vmem>>, %arg9: memref<100x64xf32, #tpu.memory_space<vmem>>, %arg10: memref<100x64xf32, #tpu.memory_space<vmem>>, %arg11: memref<100x64xf32, #tpu.memory_space<vmem>>, %arg12: memref<125x64xf32, #tpu.memory_space<vmem>>, %arg13: memref<10000x64xf32, #tpu.memory_space<vmem_shared>>, %arg14: memref<!tpu.dma_semaphore, #tpu.memory_space<semaphore_mem>>, %arg15: memref<!tpu.dma_semaphore, #tpu.memory_space<semaphore_mem>>, %arg16: memref<!tpu.dma_semaphore, #tpu.memory_space<semaphore_mem>>, %arg17: memref<!tpu.dma_semaphore, #tpu.memory_space<semaphore_mem>>) attributes {dimension_semantics = [#tpu.dimension_semantics<core_parallel>, #tpu.dimension_semantics<subcore_parallel>], iteration_bounds = array<i64: 2, 16>, scalar_prefetch = 0 : i64, scratch_operands = 12 : i64, tpu.core_type = #tpu.core_type<sc_vector_subcore>, window_params = [{transform_indices = #map}, {transform_indices = #map1}, {transform_indices = #map1}, {transform_indices = #map}]} {
    %broadcast_in_dim3A = arith.constant 0.000000e+00 : f32
    %broadcast_in_dim3A_0 = vector.broadcast %broadcast_in_dim3A : f32 to vector<16xf32>
    %scan3A = arith.constant 0 : i32
    %scan3A_1 = arith.constant 125 : i32
    %scan3A_2 = arith.addi %scan3A, %scan3A_1 : i32
    %scan3A_3 = arith.constant 1 : i32
    scf.for %scan3A_22 = %scan3A to %scan3A_2 step %scan3A_3  : i32 {
      %mul3A_23 = arith.constant 1 : i32
      %mul3A_24 = arith.muli %scan3A_22, %mul3A_23 : i32
      %add3A_25 = arith.constant 0 : i32
      %add3A_26 = arith.addi %add3A_25, %mul3A_24 : i32
      %scan3A_27 = arith.constant 0 : i32
      %scan3A_28 = arith.constant 4 : i32
      %scan3A_29 = arith.addi %scan3A_27, %scan3A_28 : i32
      %scan3A_30 = arith.constant 1 : i32
      scf.for %scan3A_32 = %scan3A_27 to %scan3A_29 step %scan3A_30  : i32 {
        %mul3A_33 = arith.constant 1 : i32
        %mul3A_34 = arith.muli %scan3A_32, %mul3A_33 : i32
        %add3A_35 = arith.constant 0 : i32
        %add3A_36 = arith.addi %add3A_35, %mul3A_34 : i32
        %mul3A_37 = arith.constant 16 : i32
        %mul3A_38 = arith.muli %add3A_36, %mul3A_37 : i32
        %swap3A = arith.index_cast %add3A_26 : i32 to index
        %swap3A_39 = arith.index_cast %mul3A_38 : i32 to index
        %swap3A_40 = tpu.vector_load %arg12[%swap3A, %swap3A_39] {strides = array<i32>} : memref<125x64xf32, #tpu.memory_space<vmem>>, vector<16xf32>,
        tpu.vector_store %arg12[%swap3A, %swap3A_39], %broadcast_in_dim3A_0 {strides = array<i32>} : memref<125x64xf32, #tpu.memory_space<vmem>>, vector<16xf32>,
      }
      %scan3A_31 = arith.constant 4 : i32
    }
    %scan3A_4 = arith.constant 125 : i32
    %scan3A_5 = arith.constant 0 : i32
    %scan3A_6 = arith.constant 5 : i32
    %scan3A_7 = arith.addi %scan3A_5, %scan3A_6 : i32
    %scan3A_8 = arith.constant 1 : i32
    scf.for %scan3A_22 = %scan3A_5 to %scan3A_7 step %scan3A_8  : i32 {
      %mul3A_23 = arith.constant 1 : i32
      %mul3A_24 = arith.muli %scan3A_22, %mul3A_23 : i32
      %add3A_25 = arith.constant 0 : i32
      %add3A_26 = arith.addi %add3A_25, %mul3A_24 : i32
      %mul3A_27 = arith.constant 625 : i32
      %mul3A_28 = arith.muli %arg1, %mul3A_27 : i32
      %mul3A_29 = arith.constant 125 : i32
      %mul3A_30 = arith.muli %add3A_26, %mul3A_29 : i32
      %add3A_31 = arith.addi %mul3A_28, %mul3A_30 : i32
      "tpu.region"() ({
        %run_scoped3A = tpu.sem_alloc : memref<!tpu.dma_semaphore, #tpu.memory_space<semaphore_mem>>
        %dma_start3A = arith.constant 0 : i32
        %dma_start3A_32 = tpu.memref_slice %arg13[%add3A_31, %dma_start3A] : memref<10000x64xf32, #tpu.memory_space<vmem_shared>> -> memref<125x64xf32, #tpu.memory_space<vmem_shared>>
        %dma_start3A_33 = arith.constant 0 : i32
        %dma_start3A_34 = tpu.memref_slice %arg13[%add3A_31, %dma_start3A_33] : memref<10000x64xf32, #tpu.memory_space<vmem_shared>> -> memref<125x64xf32, #tpu.memory_space<vmem_shared>>
        tpu.enqueue_dma source(%arg12 : memref<125x64xf32, #tpu.memory_space<vmem>>) target(%dma_start3A_34 : memref<125x64xf32, #tpu.memory_space<vmem_shared>>) target_semaphore(%run_scoped3A : memref<!tpu.dma_semaphore, #tpu.memory_space<semaphore_mem>>)
        %dma_wait3A = arith.constant 0 : i32
        %dma_wait3A_35 = tpu.memref_slice %arg13[%add3A_31, %dma_wait3A] : memref<10000x64xf32, #tpu.memory_space<vmem_shared>> -> memref<125x64xf32, #tpu.memory_space<vmem_shared>>
        %dma_wait3A_36 = arith.constant 0 : i32
        %dma_wait3A_37 = tpu.memref_slice %arg13[%add3A_31, %dma_wait3A_36] : memref<10000x64xf32, #tpu.memory_space<vmem_shared>> -> memref<125x64xf32, #tpu.memory_space<vmem_shared>>
        tpu.wait_dma2 semaphore(%run_scoped3A : memref<!tpu.dma_semaphore, #tpu.memory_space<semaphore_mem>>) src(%arg12 : memref<125x64xf32, #tpu.memory_space<vmem>>) dst(%dma_wait3A_37 : memref<125x64xf32, #tpu.memory_space<vmem_shared>>)
        tpu.yield
      }) : () -> ()
    }
    %scan3A_9 = arith.constant 5 : i32
    %mul3A = arith.constant 16 : i32
    %mul3A_10 = arith.muli %arg0, %mul3A : i32
    %add3A = arith.addi %mul3A_10, %arg1 : i32
    "tpu.region"() ({
      %run_scoped3A = tpu.sem_alloc : memref<!tpu.dma_semaphore, #tpu.memory_space<semaphore_mem>>
      %dma_start3A = arith.constant 0 : i32
      %dma_start3A_22 = arith.constant 0 : i32
      %dma_start3A_23 = tpu.memref_slice %arg3[%add3A, %dma_start3A, %dma_start3A_22] : memref<32x200x100xi32, #tpu.memory_space<hbm>> -> memref<1x200x100xi32, #tpu.memory_space<hbm>>
      %dma_start3A_24 = tpu.memref_squeeze %dma_start3A_23 : memref<1x200x100xi32, #tpu.memory_space<hbm>> -> memref<200x100xi32, #tpu.memory_space<hbm>>
      %dma_start3A_25 = arith.constant 0 : i32
      %dma_start3A_26 = arith.constant 0 : i32
      %dma_start3A_27 = tpu.memref_slice %arg3[%add3A, %dma_start3A_25, %dma_start3A_26] : memref<32x200x100xi32, #tpu.memory_space<hbm>> -> memref<1x200x100xi32, #tpu.memory_space<hbm>>
      %dma_start3A_28 = tpu.memref_squeeze %dma_start3A_27 : memref<1x200x100xi32, #tpu.memory_space<hbm>> -> memref<200x100xi32, #tpu.memory_space<hbm>>
      tpu.enqueue_dma source(%dma_start3A_28 : memref<200x100xi32, #tpu.memory_space<hbm>>) target(%arg6 : memref<200x100xi32, #tpu.memory_space<vmem>>) target_semaphore(%run_scoped3A : memref<!tpu.dma_semaphore, #tpu.memory_space<semaphore_mem>>)
      %dma_wait3A = arith.constant 0 : i32
      %dma_wait3A_29 = arith.constant 0 : i32
      %dma_wait3A_30 = tpu.memref_slice %arg3[%add3A, %dma_wait3A, %dma_wait3A_29] : memref<32x200x100xi32, #tpu.memory_space<hbm>> -> memref<1x200x100xi32, #tpu.memory_space<hbm>>
      %dma_wait3A_31 = tpu.memref_squeeze %dma_wait3A_30 : memref<1x200x100xi32, #tpu.memory_space<hbm>> -> memref<200x100xi32, #tpu.memory_space<hbm>>
      %dma_wait3A_32 = arith.constant 0 : i32
      %dma_wait3A_33 = arith.constant 0 : i32
      %dma_wait3A_34 = tpu.memref_slice %arg3[%add3A, %dma_wait3A_32, %dma_wait3A_33] : memref<32x200x100xi32, #tpu.memory_space<hbm>> -> memref<1x200x100xi32, #tpu.memory_space<hbm>>
      %dma_wait3A_35 = tpu.memref_squeeze %dma_wait3A_34 : memref<1x200x100xi32, #tpu.memory_space<hbm>> -> memref<200x100xi32, #tpu.memory_space<hbm>>
      tpu.wait_dma2 semaphore(%run_scoped3A : memref<!tpu.dma_semaphore, #tpu.memory_space<semaphore_mem>>) src(%dma_wait3A_35 : memref<200x100xi32, #tpu.memory_space<hbm>>) dst(%arg6 : memref<200x100xi32, #tpu.memory_space<vmem>>)
      tpu.yield
    }) : () -> ()
    "tpu.region"() ({
      %run_scoped3A = tpu.sem_alloc : memref<!tpu.dma_semaphore, #tpu.memory_space<semaphore_mem>>
      %dma_start3A = arith.constant 0 : i32
      %dma_start3A_22 = arith.constant 0 : i32
      %dma_start3A_23 = tpu.memref_slice %arg4[%arg1, %dma_start3A, %dma_start3A_22] : memref<16x200x100xi32, #tpu.memory_space<hbm>> -> memref<1x200x100xi32, #tpu.memory_space<hbm>>
      %dma_start3A_24 = tpu.memref_squeeze %dma_start3A_23 : memref<1x200x100xi32, #tpu.memory_space<hbm>> -> memref<200x100xi32, #tpu.memory_space<hbm>>
      %dma_start3A_25 = arith.constant 0 : i32
      %dma_start3A_26 = arith.constant 0 : i32
      %dma_start3A_27 = tpu.memref_slice %arg4[%arg1, %dma_start3A_25, %dma_start3A_26] : memref<16x200x100xi32, #tpu.memory_space<hbm>> -> memref<1x200x100xi32, #tpu.memory_space<hbm>>
      %dma_start3A_28 = tpu.memref_squeeze %dma_start3A_27 : memref<1x200x100xi32, #tpu.memory_space<hbm>> -> memref<200x100xi32, #tpu.memory_space<hbm>>
      tpu.enqueue_dma source(%dma_start3A_28 : memref<200x100xi32, #tpu.memory_space<hbm>>) target(%arg7 : memref<200x100xi32, #tpu.memory_space<vmem>>) target_semaphore(%run_scoped3A : memref<!tpu.dma_semaphore, #tpu.memory_space<semaphore_mem>>)
      %dma_wait3A = arith.constant 0 : i32
      %dma_wait3A_29 = arith.constant 0 : i32
      %dma_wait3A_30 = tpu.memref_slice %arg4[%arg1, %dma_wait3A, %dma_wait3A_29] : memref<16x200x100xi32, #tpu.memory_space<hbm>> -> memref<1x200x100xi32, #tpu.memory_space<hbm>>
      %dma_wait3A_31 = tpu.memref_squeeze %dma_wait3A_30 : memref<1x200x100xi32, #tpu.memory_space<hbm>> -> memref<200x100xi32, #tpu.memory_space<hbm>>
      %dma_wait3A_32 = arith.constant 0 : i32
      %dma_wait3A_33 = arith.constant 0 : i32
      %dma_wait3A_34 = tpu.memref_slice %arg4[%arg1, %dma_wait3A_32, %dma_wait3A_33] : memref<16x200x100xi32, #tpu.memory_space<hbm>> -> memref<1x200x100xi32, #tpu.memory_space<hbm>>
      %dma_wait3A_35 = tpu.memref_squeeze %dma_wait3A_34 : memref<1x200x100xi32, #tpu.memory_space<hbm>> -> memref<200x100xi32, #tpu.memory_space<hbm>>
      tpu.wait_dma2 semaphore(%run_scoped3A : memref<!tpu.dma_semaphore, #tpu.memory_space<semaphore_mem>>) src(%dma_wait3A_35 : memref<200x100xi32, #tpu.memory_space<hbm>>) dst(%arg7 : memref<200x100xi32, #tpu.memory_space<vmem>>)
      tpu.yield
    }) : () -> ()
    %barrier3A = arith.constant 0 : index
    tpu.barrier barrier_id(%barrier3A)
    %scan3A_11 = arith.constant 0 : i32
    %scan3A_12 = arith.constant 50 : i32
    %scan3A_13 = arith.addi %scan3A_11, %scan3A_12 : i32
    %scan3A_14 = arith.constant 1 : i32
    scf.for %scan3A_22 = %scan3A_11 to %scan3A_13 step %scan3A_14  : i32 {
      %mul3A_23 = arith.constant 4 : i32
      %mul3A_24 = arith.muli %scan3A_22, %mul3A_23 : i32
      %add3A_25 = arith.constant 0 : i32
      %add3A_26 = arith.addi %add3A_25, %mul3A_24 : i32
      %add3A_27 = arith.constant 0 : i32
      %add3A_28 = arith.addi %add3A_26, %add3A_27 : i32
      %dma_start3A = arith.constant 0 : i32
      %dma_start3A_29 = tpu.memref_slice %arg6[%add3A_28, %dma_start3A] : memref<200x100xi32, #tpu.memory_space<vmem>> -> memref<1x100xi32, #tpu.memory_space<vmem>>
      %dma_start3A_30 = tpu.memref_squeeze %dma_start3A_29 : memref<1x100xi32, #tpu.memory_space<vmem>> -> memref<100xi32, #tpu.memory_space<vmem>>
      %dma_start3A_31 = arith.constant 0 : i32
      %dma_start3A_32 = arith.constant 0 : i32
      %dma_start3A_33 = tpu.memref_slice %arg2[%dma_start3A_31, %dma_start3A_32] : memref<20000x64xf32, #tpu.memory_space<hbm>> -> memref<20000x64xf32, #tpu.memory_space<hbm>>
      tpu.enqueue_indirect_dma source(%dma_start3A_33 : memref<20000x64xf32, #tpu.memory_space<hbm>>) target(%arg8 : memref<100x64xf32, #tpu.memory_space<vmem>>) offsets(%dma_start3A_30 : memref<100xi32, #tpu.memory_space<vmem>>) semaphore(%arg14 : memref<!tpu.dma_semaphore, #tpu.memory_space<semaphore_mem>>)
      %add3A_34 = arith.constant 1 : i32
      %add3A_35 = arith.addi %add3A_26, %add3A_34 : i32
      %dma_start3A_36 = arith.constant 0 : i32
      %dma_start3A_37 = tpu.memref_slice %arg6[%add3A_35, %dma_start3A_36] : memref<200x100xi32, #tpu.memory_space<vmem>> -> memref<1x100xi32, #tpu.memory_space<vmem>>
      %dma_start3A_38 = tpu.memref_squeeze %dma_start3A_37 : memref<1x100xi32, #tpu.memory_space<vmem>> -> memref<100xi32, #tpu.memory_space<vmem>>
      %dma_start3A_39 = arith.constant 0 : i32
      %dma_start3A_40 = arith.constant 0 : i32
      %dma_start3A_41 = tpu.memref_slice %arg2[%dma_start3A_39, %dma_start3A_40] : memref<20000x64xf32, #tpu.memory_space<hbm>> -> memref<20000x64xf32, #tpu.memory_space<hbm>>
      tpu.enqueue_indirect_dma source(%dma_start3A_41 : memref<20000x64xf32, #tpu.memory_space<hbm>>) target(%arg9 : memref<100x64xf32, #tpu.memory_space<vmem>>) offsets(%dma_start3A_38 : memref<100xi32, #tpu.memory_space<vmem>>) semaphore(%arg15 : memref<!tpu.dma_semaphore, #tpu.memory_space<semaphore_mem>>)
      %add3A_42 = arith.constant 2 : i32
      %add3A_43 = arith.addi %add3A_26, %add3A_42 : i32
      %dma_start3A_44 = arith.constant 0 : i32
      %dma_start3A_45 = tpu.memref_slice %arg6[%add3A_43, %dma_start3A_44] : memref<200x100xi32, #tpu.memory_space<vmem>> -> memref<1x100xi32, #tpu.memory_space<vmem>>
      %dma_start3A_46 = tpu.memref_squeeze %dma_start3A_45 : memref<1x100xi32, #tpu.memory_space<vmem>> -> memref<100xi32, #tpu.memory_space<vmem>>
      %dma_start3A_47 = arith.constant 0 : i32
      %dma_start3A_48 = arith.constant 0 : i32
      %dma_start3A_49 = tpu.memref_slice %arg2[%dma_start3A_47, %dma_start3A_48] : memref<20000x64xf32, #tpu.memory_space<hbm>> -> memref<20000x64xf32, #tpu.memory_space<hbm>>
      tpu.enqueue_indirect_dma source(%dma_start3A_49 : memref<20000x64xf32, #tpu.memory_space<hbm>>) target(%arg10 : memref<100x64xf32, #tpu.memory_space<vmem>>) offsets(%dma_start3A_46 : memref<100xi32, #tpu.memory_space<vmem>>) semaphore(%arg16 : memref<!tpu.dma_semaphore, #tpu.memory_space<semaphore_mem>>)
      %add3A_50 = arith.constant 3 : i32
      %add3A_51 = arith.addi %add3A_26, %add3A_50 : i32
      %dma_start3A_52 = arith.constant 0 : i32
      %dma_start3A_53 = tpu.memref_slice %arg6[%add3A_51, %dma_start3A_52] : memref<200x100xi32, #tpu.memory_space<vmem>> -> memref<1x100xi32, #tpu.memory_space<vmem>>
      %dma_start3A_54 = tpu.memref_squeeze %dma_start3A_53 : memref<1x100xi32, #tpu.memory_space<vmem>> -> memref<100xi32, #tpu.memory_space<vmem>>
      %dma_start3A_55 = arith.constant 0 : i32
      %dma_start3A_56 = arith.constant 0 : i32
      %dma_start3A_57 = tpu.memref_slice %arg2[%dma_start3A_55, %dma_start3A_56] : memref<20000x64xf32, #tpu.memory_space<hbm>> -> memref<20000x64xf32, #tpu.memory_space<hbm>>
      tpu.enqueue_indirect_dma source(%dma_start3A_57 : memref<20000x64xf32, #tpu.memory_space<hbm>>) target(%arg11 : memref<100x64xf32, #tpu.memory_space<vmem>>) offsets(%dma_start3A_54 : memref<100xi32, #tpu.memory_space<vmem>>) semaphore(%arg17 : memref<!tpu.dma_semaphore, #tpu.memory_space<semaphore_mem>>)
      %dma_wait3A = arith.constant 0 : i32
      %dma_wait3A_58 = tpu.memref_slice %arg6[%add3A_28, %dma_wait3A] : memref<200x100xi32, #tpu.memory_space<vmem>> -> memref<1x100xi32, #tpu.memory_space<vmem>>
      %dma_wait3A_59 = tpu.memref_squeeze %dma_wait3A_58 : memref<1x100xi32, #tpu.memory_space<vmem>> -> memref<100xi32, #tpu.memory_space<vmem>>
      %dma_wait3A_60 = arith.constant 0 : i32
      %dma_wait3A_61 = arith.constant 0 : i32
      %dma_wait3A_62 = tpu.memref_slice %arg2[%dma_wait3A_60, %dma_wait3A_61] : memref<20000x64xf32, #tpu.memory_space<hbm>> -> memref<20000x64xf32, #tpu.memory_space<hbm>>
      tpu.wait_indirect_dma semaphore(%arg14 : memref<!tpu.dma_semaphore, #tpu.memory_space<semaphore_mem>>) src(%dma_wait3A_62 : memref<20000x64xf32, #tpu.memory_space<hbm>>) dst(%arg8 : memref<100x64xf32, #tpu.memory_space<vmem>>)
      %add3A_63 = arith.constant 0 : i32
      %add3A_64 = arith.addi %add3A_26, %add3A_63 : i32
      "tpu.region"() ({
        %run_scoped3A = tpu.sem_alloc : memref<!tpu.dma_semaphore, #tpu.memory_space<semaphore_mem>>
        %dma_start3A_89 = arith.constant 0 : i32
        %dma_start3A_90 = tpu.memref_slice %arg7[%add3A_64, %dma_start3A_89] : memref<200x100xi32, #tpu.memory_space<vmem>> -> memref<1x100xi32, #tpu.memory_space<vmem>>
        %dma_start3A_91 = tpu.memref_squeeze %dma_start3A_90 : memref<1x100xi32, #tpu.memory_space<vmem>> -> memref<100xi32, #tpu.memory_space<vmem>>
        %dma_start3A_92 = arith.constant 0 : i32
        %dma_start3A_93 = arith.constant 0 : i32
        %dma_start3A_94 = tpu.memref_slice %arg13[%dma_start3A_92, %dma_start3A_93] : memref<10000x64xf32, #tpu.memory_space<vmem_shared>> -> memref<10000x64xf32, #tpu.memory_space<vmem_shared>>
        tpu.enqueue_indirect_dma source(%arg8 : memref<100x64xf32, #tpu.memory_space<vmem>>) target(%dma_start3A_94 : memref<10000x64xf32, #tpu.memory_space<vmem_shared>>) offsets(%dma_start3A_91 : memref<100xi32, #tpu.memory_space<vmem>>) semaphore(%run_scoped3A : memref<!tpu.dma_semaphore, #tpu.memory_space<semaphore_mem>>) {add = true}
        %dma_wait3A_95 = arith.constant 0 : i32
        %dma_wait3A_96 = tpu.memref_slice %arg7[%add3A_64, %dma_wait3A_95] : memref<200x100xi32, #tpu.memory_space<vmem>> -> memref<1x100xi32, #tpu.memory_space<vmem>>
        %dma_wait3A_97 = tpu.memref_squeeze %dma_wait3A_96 : memref<1x100xi32, #tpu.memory_space<vmem>> -> memref<100xi32, #tpu.memory_space<vmem>>
        %dma_wait3A_98 = arith.constant 0 : i32
        %dma_wait3A_99 = arith.constant 0 : i32
        %dma_wait3A_100 = tpu.memref_slice %arg13[%dma_wait3A_98, %dma_wait3A_99] : memref<10000x64xf32, #tpu.memory_space<vmem_shared>> -> memref<10000x64xf32, #tpu.memory_space<vmem_shared>>
        tpu.wait_indirect_dma semaphore(%run_scoped3A : memref<!tpu.dma_semaphore, #tpu.memory_space<semaphore_mem>>) src(%arg8 : memref<100x64xf32, #tpu.memory_space<vmem>>) dst(%dma_wait3A_100 : memref<10000x64xf32, #tpu.memory_space<vmem_shared>>)
        tpu.yield
      }) : () -> ()
      %dma_wait3A_65 = arith.constant 0 : i32
      %dma_wait3A_66 = tpu.memref_slice %arg6[%add3A_35, %dma_wait3A_65] : memref<200x100xi32, #tpu.memory_space<vmem>> -> memref<1x100xi32, #tpu.memory_space<vmem>>
      %dma_wait3A_67 = tpu.memref_squeeze %dma_wait3A_66 : memref<1x100xi32, #tpu.memory_space<vmem>> -> memref<100xi32, #tpu.memory_space<vmem>>
      %dma_wait3A_68 = arith.constant 0 : i32
      %dma_wait3A_69 = arith.constant 0 : i32
      %dma_wait3A_70 = tpu.memref_slice %arg2[%dma_wait3A_68, %dma_wait3A_69] : memref<20000x64xf32, #tpu.memory_space<hbm>> -> memref<20000x64xf32, #tpu.memory_space<hbm>>
      tpu.wait_indirect_dma semaphore(%arg15 : memref<!tpu.dma_semaphore, #tpu.memory_space<semaphore_mem>>) src(%dma_wait3A_70 : memref<20000x64xf32, #tpu.memory_space<hbm>>) dst(%arg9 : memref<100x64xf32, #tpu.memory_space<vmem>>)
      %add3A_71 = arith.constant 1 : i32
      %add3A_72 = arith.addi %add3A_26, %add3A_71 : i32
      "tpu.region"() ({
        %run_scoped3A = tpu.sem_alloc : memref<!tpu.dma_semaphore, #tpu.memory_space<semaphore_mem>>
        %dma_start3A_89 = arith.constant 0 : i32
        %dma_start3A_90 = tpu.memref_slice %arg7[%add3A_72, %dma_start3A_89] : memref<200x100xi32, #tpu.memory_space<vmem>> -> memref<1x100xi32, #tpu.memory_space<vmem>>
        %dma_start3A_91 = tpu.memref_squeeze %dma_start3A_90 : memref<1x100xi32, #tpu.memory_space<vmem>> -> memref<100xi32, #tpu.memory_space<vmem>>
        %dma_start3A_92 = arith.constant 0 : i32
        %dma_start3A_93 = arith.constant 0 : i32
        %dma_start3A_94 = tpu.memref_slice %arg13[%dma_start3A_92, %dma_start3A_93] : memref<10000x64xf32, #tpu.memory_space<vmem_shared>> -> memref<10000x64xf32, #tpu.memory_space<vmem_shared>>
        tpu.enqueue_indirect_dma source(%arg9 : memref<100x64xf32, #tpu.memory_space<vmem>>) target(%dma_start3A_94 : memref<10000x64xf32, #tpu.memory_space<vmem_shared>>) offsets(%dma_start3A_91 : memref<100xi32, #tpu.memory_space<vmem>>) semaphore(%run_scoped3A : memref<!tpu.dma_semaphore, #tpu.memory_space<semaphore_mem>>) {add = true}
        %dma_wait3A_95 = arith.constant 0 : i32
        %dma_wait3A_96 = tpu.memref_slice %arg7[%add3A_72, %dma_wait3A_95] : memref<200x100xi32, #tpu.memory_space<vmem>> -> memref<1x100xi32, #tpu.memory_space<vmem>>
        %dma_wait3A_97 = tpu.memref_squeeze %dma_wait3A_96 : memref<1x100xi32, #tpu.memory_space<vmem>> -> memref<100xi32, #tpu.memory_space<vmem>>
        %dma_wait3A_98 = arith.constant 0 : i32
        %dma_wait3A_99 = arith.constant 0 : i32
        %dma_wait3A_100 = tpu.memref_slice %arg13[%dma_wait3A_98, %dma_wait3A_99] : memref<10000x64xf32, #tpu.memory_space<vmem_shared>> -> memref<10000x64xf32, #tpu.memory_space<vmem_shared>>
        tpu.wait_indirect_dma semaphore(%run_scoped3A : memref<!tpu.dma_semaphore, #tpu.memory_space<semaphore_mem>>) src(%arg9 : memref<100x64xf32, #tpu.memory_space<vmem>>) dst(%dma_wait3A_100 : memref<10000x64xf32, #tpu.memory_space<vmem_shared>>)
        tpu.yield
      }) : () -> ()
      %dma_wait3A_73 = arith.constant 0 : i32
      %dma_wait3A_74 = tpu.memref_slice %arg6[%add3A_43, %dma_wait3A_73] : memref<200x100xi32, #tpu.memory_space<vmem>> -> memref<1x100xi32, #tpu.memory_space<vmem>>
      %dma_wait3A_75 = tpu.memref_squeeze %dma_wait3A_74 : memref<1x100xi32, #tpu.memory_space<vmem>> -> memref<100xi32, #tpu.memory_space<vmem>>
      %dma_wait3A_76 = arith.constant 0 : i32
      %dma_wait3A_77 = arith.constant 0 : i32
      %dma_wait3A_78 = tpu.memref_slice %arg2[%dma_wait3A_76, %dma_wait3A_77] : memref<20000x64xf32, #tpu.memory_space<hbm>> -> memref<20000x64xf32, #tpu.memory_space<hbm>>
      tpu.wait_indirect_dma semaphore(%arg16 : memref<!tpu.dma_semaphore, #tpu.memory_space<semaphore_mem>>) src(%dma_wait3A_78 : memref<20000x64xf32, #tpu.memory_space<hbm>>) dst(%arg10 : memref<100x64xf32, #tpu.memory_space<vmem>>)
      %add3A_79 = arith.constant 2 : i32
      %add3A_80 = arith.addi %add3A_26, %add3A_79 : i32
      "tpu.region"() ({
        %run_scoped3A = tpu.sem_alloc : memref<!tpu.dma_semaphore, #tpu.memory_space<semaphore_mem>>
        %dma_start3A_89 = arith.constant 0 : i32
        %dma_start3A_90 = tpu.memref_slice %arg7[%add3A_80, %dma_start3A_89] : memref<200x100xi32, #tpu.memory_space<vmem>> -> memref<1x100xi32, #tpu.memory_space<vmem>>
        %dma_start3A_91 = tpu.memref_squeeze %dma_start3A_90 : memref<1x100xi32, #tpu.memory_space<vmem>> -> memref<100xi32, #tpu.memory_space<vmem>>
        %dma_start3A_92 = arith.constant 0 : i32
        %dma_start3A_93 = arith.constant 0 : i32
        %dma_start3A_94 = tpu.memref_slice %arg13[%dma_start3A_92, %dma_start3A_93] : memref<10000x64xf32, #tpu.memory_space<vmem_shared>> -> memref<10000x64xf32, #tpu.memory_space<vmem_shared>>
        tpu.enqueue_indirect_dma source(%arg10 : memref<100x64xf32, #tpu.memory_space<vmem>>) target(%dma_start3A_94 : memref<10000x64xf32, #tpu.memory_space<vmem_shared>>) offsets(%dma_start3A_91 : memref<100xi32, #tpu.memory_space<vmem>>) semaphore(%run_scoped3A : memref<!tpu.dma_semaphore, #tpu.memory_space<semaphore_mem>>) {add = true}
        %dma_wait3A_95 = arith.constant 0 : i32
        %dma_wait3A_96 = tpu.memref_slice %arg7[%add3A_80, %dma_wait3A_95] : memref<200x100xi32, #tpu.memory_space<vmem>> -> memref<1x100xi32, #tpu.memory_space<vmem>>
        %dma_wait3A_97 = tpu.memref_squeeze %dma_wait3A_96 : memref<1x100xi32, #tpu.memory_space<vmem>> -> memref<100xi32, #tpu.memory_space<vmem>>
        %dma_wait3A_98 = arith.constant 0 : i32
        %dma_wait3A_99 = arith.constant 0 : i32
        %dma_wait3A_100 = tpu.memref_slice %arg13[%dma_wait3A_98, %dma_wait3A_99] : memref<10000x64xf32, #tpu.memory_space<vmem_shared>> -> memref<10000x64xf32, #tpu.memory_space<vmem_shared>>
        tpu.wait_indirect_dma semaphore(%run_scoped3A : memref<!tpu.dma_semaphore, #tpu.memory_space<semaphore_mem>>) src(%arg10 : memref<100x64xf32, #tpu.memory_space<vmem>>) dst(%dma_wait3A_100 : memref<10000x64xf32, #tpu.memory_space<vmem_shared>>)
        tpu.yield
      }) : () -> ()
      %dma_wait3A_81 = arith.constant 0 : i32
      %dma_wait3A_82 = tpu.memref_slice %arg6[%add3A_51, %dma_wait3A_81] : memref<200x100xi32, #tpu.memory_space<vmem>> -> memref<1x100xi32, #tpu.memory_space<vmem>>
      %dma_wait3A_83 = tpu.memref_squeeze %dma_wait3A_82 : memref<1x100xi32, #tpu.memory_space<vmem>> -> memref<100xi32, #tpu.memory_space<vmem>>
      %dma_wait3A_84 = arith.constant 0 : i32
      %dma_wait3A_85 = arith.constant 0 : i32
      %dma_wait3A_86 = tpu.memref_slice %arg2[%dma_wait3A_84, %dma_wait3A_85] : memref<20000x64xf32, #tpu.memory_space<hbm>> -> memref<20000x64xf32, #tpu.memory_space<hbm>>
      tpu.wait_indirect_dma semaphore(%arg17 : memref<!tpu.dma_semaphore, #tpu.memory_space<semaphore_mem>>) src(%dma_wait3A_86 : memref<20000x64xf32, #tpu.memory_space<hbm>>) dst(%arg11 : memref<100x64xf32, #tpu.memory_space<vmem>>)
      %add3A_87 = arith.constant 3 : i32
      %add3A_88 = arith.addi %add3A_26, %add3A_87 : i32
      "tpu.region"() ({
        %run_scoped3A = tpu.sem_alloc : memref<!tpu.dma_semaphore, #tpu.memory_space<semaphore_mem>>
        %dma_start3A_89 = arith.constant 0 : i32
        %dma_start3A_90 = tpu.memref_slice %arg7[%add3A_88, %dma_start3A_89] : memref<200x100xi32, #tpu.memory_space<vmem>> -> memref<1x100xi32, #tpu.memory_space<vmem>>
        %dma_start3A_91 = tpu.memref_squeeze %dma_start3A_90 : memref<1x100xi32, #tpu.memory_space<vmem>> -> memref<100xi32, #tpu.memory_space<vmem>>
        %dma_start3A_92 = arith.constant 0 : i32
        %dma_start3A_93 = arith.constant 0 : i32
        %dma_start3A_94 = tpu.memref_slice %arg13[%dma_start3A_92, %dma_start3A_93] : memref<10000x64xf32, #tpu.memory_space<vmem_shared>> -> memref<10000x64xf32, #tpu.memory_space<vmem_shared>>
        tpu.enqueue_indirect_dma source(%arg11 : memref<100x64xf32, #tpu.memory_space<vmem>>) target(%dma_start3A_94 : memref<10000x64xf32, #tpu.memory_space<vmem_shared>>) offsets(%dma_start3A_91 : memref<100xi32, #tpu.memory_space<vmem>>) semaphore(%run_scoped3A : memref<!tpu.dma_semaphore, #tpu.memory_space<semaphore_mem>>) {add = true}
        %dma_wait3A_95 = arith.constant 0 : i32
        %dma_wait3A_96 = tpu.memref_slice %arg7[%add3A_88, %dma_wait3A_95] : memref<200x100xi32, #tpu.memory_space<vmem>> -> memref<1x100xi32, #tpu.memory_space<vmem>>
        %dma_wait3A_97 = tpu.memref_squeeze %dma_wait3A_96 : memref<1x100xi32, #tpu.memory_space<vmem>> -> memref<100xi32, #tpu.memory_space<vmem>>
        %dma_wait3A_98 = arith.constant 0 : i32
        %dma_wait3A_99 = arith.constant 0 : i32
        %dma_wait3A_100 = tpu.memref_slice %arg13[%dma_wait3A_98, %dma_wait3A_99] : memref<10000x64xf32, #tpu.memory_space<vmem_shared>> -> memref<10000x64xf32, #tpu.memory_space<vmem_shared>>
        tpu.wait_indirect_dma semaphore(%run_scoped3A : memref<!tpu.dma_semaphore, #tpu.memory_space<semaphore_mem>>) src(%arg11 : memref<100x64xf32, #tpu.memory_space<vmem>>) dst(%dma_wait3A_100 : memref<10000x64xf32, #tpu.memory_space<vmem_shared>>)
        tpu.yield
      }) : () -> ()
    }
    %scan3A_15 = arith.constant 50 : i32
    %barrier3A_16 = arith.constant 0 : index
    tpu.barrier barrier_id(%barrier3A_16)
    %scan3A_17 = arith.constant 0 : i32
    %scan3A_18 = arith.constant 5 : i32
    %scan3A_19 = arith.addi %scan3A_17, %scan3A_18 : i32
    %scan3A_20 = arith.constant 1 : i32
    scf.for %scan3A_22 = %scan3A_17 to %scan3A_19 step %scan3A_20  : i32 {
      %mul3A_23 = arith.constant 1 : i32
      %mul3A_24 = arith.muli %scan3A_22, %mul3A_23 : i32
      %add3A_25 = arith.constant 0 : i32
      %add3A_26 = arith.addi %add3A_25, %mul3A_24 : i32
      %mul3A_27 = arith.constant 625 : i32
      %mul3A_28 = arith.muli %arg1, %mul3A_27 : i32
      %mul3A_29 = arith.constant 125 : i32
      %mul3A_30 = arith.muli %add3A_26, %mul3A_29 : i32
      %add3A_31 = arith.addi %mul3A_28, %mul3A_30 : i32
      "tpu.region"() ({
        %run_scoped3A = tpu.sem_alloc : memref<!tpu.dma_semaphore, #tpu.memory_space<semaphore_mem>>
        %dma_start3A = arith.constant 0 : i32
        %dma_start3A_40 = tpu.memref_slice %arg13[%add3A_31, %dma_start3A] : memref<10000x64xf32, #tpu.memory_space<vmem_shared>> -> memref<125x64xf32, #tpu.memory_space<vmem_shared>>
        %dma_start3A_41 = arith.constant 0 : i32
        %dma_start3A_42 = tpu.memref_slice %arg13[%add3A_31, %dma_start3A_41] : memref<10000x64xf32, #tpu.memory_space<vmem_shared>> -> memref<125x64xf32, #tpu.memory_space<vmem_shared>>
        tpu.enqueue_dma source(%dma_start3A_42 : memref<125x64xf32, #tpu.memory_space<vmem_shared>>) target(%arg12 : memref<125x64xf32, #tpu.memory_space<vmem>>) target_semaphore(%run_scoped3A : memref<!tpu.dma_semaphore, #tpu.memory_space<semaphore_mem>>)
        %dma_wait3A = arith.constant 0 : i32
        %dma_wait3A_43 = tpu.memref_slice %arg13[%add3A_31, %dma_wait3A] : memref<10000x64xf32, #tpu.memory_space<vmem_shared>> -> memref<125x64xf32, #tpu.memory_space<vmem_shared>>
        %dma_wait3A_44 = arith.constant 0 : i32
        %dma_wait3A_45 = tpu.memref_slice %arg13[%add3A_31, %dma_wait3A_44] : memref<10000x64xf32, #tpu.memory_space<vmem_shared>> -> memref<125x64xf32, #tpu.memory_space<vmem_shared>>
        tpu.wait_dma2 semaphore(%run_scoped3A : memref<!tpu.dma_semaphore, #tpu.memory_space<semaphore_mem>>) src(%dma_wait3A_45 : memref<125x64xf32, #tpu.memory_space<vmem_shared>>) dst(%arg12 : memref<125x64xf32, #tpu.memory_space<vmem>>)
        tpu.yield
      }) : () -> ()
      %mul3A_32 = arith.constant 10000 : i32
      %mul3A_33 = arith.muli %arg0, %mul3A_32 : i32
      %mul3A_34 = arith.constant 625 : i32
      %mul3A_35 = arith.muli %arg1, %mul3A_34 : i32
      %add3A_36 = arith.addi %mul3A_33, %mul3A_35 : i32
      %mul3A_37 = arith.constant 125 : i32
      %mul3A_38 = arith.muli %add3A_26, %mul3A_37 : i32
      %add3A_39 = arith.addi %add3A_36, %mul3A_38 : i32
      "tpu.region"() ({
        %run_scoped3A = tpu.sem_alloc : memref<!tpu.dma_semaphore, #tpu.memory_space<semaphore_mem>>
        %dma_start3A = arith.constant 0 : i32
        %dma_start3A_40 = tpu.memref_slice %arg5[%add3A_39, %dma_start3A] : memref<20000x64xf32, #tpu.memory_space<hbm>> -> memref<125x64xf32, #tpu.memory_space<hbm>>
        %dma_start3A_41 = arith.constant 0 : i32
        %dma_start3A_42 = tpu.memref_slice %arg5[%add3A_39, %dma_start3A_41] : memref<20000x64xf32, #tpu.memory_space<hbm>> -> memref<125x64xf32, #tpu.memory_space<hbm>>
        tpu.enqueue_dma source(%arg12 : memref<125x64xf32, #tpu.memory_space<vmem>>) target(%dma_start3A_42 : memref<125x64xf32, #tpu.memory_space<hbm>>) target_semaphore(%run_scoped3A : memref<!tpu.dma_semaphore, #tpu.memory_space<semaphore_mem>>)
        %dma_wait3A = arith.constant 0 : i32
        %dma_wait3A_43 = tpu.memref_slice %arg5[%add3A_39, %dma_wait3A] : memref<20000x64xf32, #tpu.memory_space<hbm>> -> memref<125x64xf32, #tpu.memory_space<hbm>>
        %dma_wait3A_44 = arith.constant 0 : i32
        %dma_wait3A_45 = tpu.memref_slice %arg5[%add3A_39, %dma_wait3A_44] : memref<20000x64xf32, #tpu.memory_space<hbm>> -> memref<125x64xf32, #tpu.memory_space<hbm>>
        tpu.wait_dma2 semaphore(%run_scoped3A : memref<!tpu.dma_semaphore, #tpu.memory_space<semaphore_mem>>) src(%arg12 : memref<125x64xf32, #tpu.memory_space<vmem>>) dst(%dma_wait3A_45 : memref<125x64xf32, #tpu.memory_space<hbm>>)
        tpu.yield
      }) : () -> ()
    }
    %scan3A_21 = arith.constant 5 : i32
    return
  }
}

module attributes {stable_mosaic.version = 14 : i64} {
  func.func @_prescale_body(%arg0: memref<10000x128xf32, #tpu.memory_space<vmem>>, %arg1: memref<10000x32xf32, #tpu.memory_space<vmem>>, %arg2: memref<20000x64xf32, #tpu.memory_space<vmem>>) attributes {dimension_semantics = [], scalar_prefetch = 0 : i64, scratch_operands = 0 : i64, tpu.core_type = #tpu.core_type<tc>} {
    %get3A = arith.constant 0 : index
    %get3A_0 = arith.constant 0 : index
    %get3A_1 = vector.load %arg1[%get3A, %get3A_0] : memref<10000x32xf32, #tpu.memory_space<vmem>>, vector<10000x32xf32>
    %reduce_sum3A = arith.constant dense<0.000000e+00> : vector<10000xf32>
    %reduce_sum3A_2 = vector.multi_reduction <add>, %get3A_1, %reduce_sum3A [1] : vector<10000x32xf32> to vector<10000xf32>
    %broadcast_in_dim3A = vector.shape_cast %reduce_sum3A_2 : vector<10000xf32> to vector<10000x1xf32>
    %max3A = arith.constant 1.000000e+00 : f32
    %max3A_3 = vector.broadcast %max3A : f32 to vector<10000x1xf32>
    %max3A_4 = arith.maximumf %broadcast_in_dim3A, %max3A_3 : vector<10000x1xf32>
    %rsqrt3A = math.rsqrt %max3A_4 : vector<10000x1xf32>
    %get3A_5 = arith.constant 0 : index
    %get3A_6 = arith.constant 0 : index
    %get3A_7 = vector.load %arg0[%get3A_5, %get3A_6] : memref<10000x128xf32, #tpu.memory_space<vmem>>, vector<10000x128xf32>
    %mul3A = vector.broadcast %rsqrt3A : vector<10000x1xf32> to vector<10000x128xf32>
    %mul3A_8 = arith.mulf %get3A_7, %mul3A : vector<10000x128xf32>
    %slice3A = vector.extract_strided_slice %mul3A_8 {offsets = [0, 0], sizes = [10000, 64], strides = [1, 1]} : vector<10000x128xf32> to vector<10000x64xf32>
    %swap3A = arith.constant 0 : index
    %swap3A_9 = arith.constant 0 : index
    %swap3A_10 = vector.load %arg2[%swap3A, %swap3A_9] : memref<20000x64xf32, #tpu.memory_space<vmem>>, vector<10000x64xf32>
    tpu.vector_store %arg2[%swap3A, %swap3A_9], %slice3A {strides = array<i32>} : memref<20000x64xf32, #tpu.memory_space<vmem>>, vector<10000x64xf32>,
    %slice3A_11 = vector.extract_strided_slice %mul3A_8 {offsets = [0, 64], sizes = [10000, 64], strides = [1, 1]} : vector<10000x128xf32> to vector<10000x64xf32>
    %swap3A_12 = arith.constant 10000 : index
    %swap3A_13 = arith.constant 0 : index
    %swap3A_14 = vector.load %arg2[%swap3A_12, %swap3A_13] : memref<20000x64xf32, #tpu.memory_space<vmem>>, vector<10000x64xf32>
    tpu.vector_store %arg2[%swap3A_12, %swap3A_13], %slice3A_11 {strides = array<i32>} : memref<20000x64xf32, #tpu.memory_space<vmem>>, vector<10000x64xf32>,
    return
  }
}

module attributes {stable_mosaic.version = 14 : i64} {
  func.func @_final_body(%arg0: memref<20000x64xf32, #tpu.memory_space<vmem>>, %arg1: memref<10000x32xf32, #tpu.memory_space<vmem>>, %arg2: memref<128x128xf32, #tpu.memory_space<vmem>>, %arg3: memref<1x128xf32, #tpu.memory_space<vmem>>, %arg4: memref<10000x128xf32, #tpu.memory_space<vmem>>) attributes {dimension_semantics = [], scalar_prefetch = 0 : i64, scratch_operands = 0 : i64, tpu.core_type = #tpu.core_type<tc>} {
    %get3A = arith.constant 0 : index
    %get3A_0 = arith.constant 0 : index
    %get3A_1 = vector.load %arg0[%get3A, %get3A_0] : memref<20000x64xf32, #tpu.memory_space<vmem>>, vector<10000x64xf32>
    %get3A_2 = arith.constant 10000 : index
    %get3A_3 = arith.constant 0 : index
    %get3A_4 = vector.load %arg0[%get3A_2, %get3A_3] : memref<20000x64xf32, #tpu.memory_space<vmem>>, vector<10000x64xf32>
    %concatenate3A = tpu.concatenate %get3A_1, %get3A_4 in 1 : vector<10000x64xf32>, vector<10000x64xf32> -> vector<10000x128xf32>
    %get3A_5 = arith.constant 0 : index
    %get3A_6 = arith.constant 0 : index
    %get3A_7 = vector.load %arg1[%get3A_5, %get3A_6] : memref<10000x32xf32, #tpu.memory_space<vmem>>, vector<10000x32xf32>
    %reduce_sum3A = arith.constant dense<0.000000e+00> : vector<10000xf32>
    %reduce_sum3A_8 = vector.multi_reduction <add>, %get3A_7, %reduce_sum3A [1] : vector<10000x32xf32> to vector<10000xf32>
    %broadcast_in_dim3A = vector.shape_cast %reduce_sum3A_8 : vector<10000xf32> to vector<10000x1xf32>
    %max3A = arith.constant 1.000000e+00 : f32
    %max3A_9 = vector.broadcast %max3A : f32 to vector<10000x1xf32>
    %max3A_10 = arith.maximumf %broadcast_in_dim3A, %max3A_9 : vector<10000x1xf32>
    %rsqrt3A = math.rsqrt %max3A_10 : vector<10000x1xf32>
    %mul3A = vector.broadcast %rsqrt3A : vector<10000x1xf32> to vector<10000x128xf32>
    %mul3A_11 = arith.mulf %concatenate3A, %mul3A : vector<10000x128xf32>
    %get3A_12 = arith.constant 0 : index
    %get3A_13 = arith.constant 0 : index
    %get3A_14 = vector.load %arg2[%get3A_12, %get3A_13] : memref<128x128xf32, #tpu.memory_space<vmem>>, vector<128x128xf32>
    %dot_general3A = arith.constant dense<0.000000e+00> : vector<10000x128xf32>
    %dot_general3A_15 = tpu.matmul %mul3A_11, %get3A_14, %dot_general3A {dimension_numbers = #tpu.dot_dimension_numbers<[1], [0], [0], [1], [0, 0, 1, 1], [], []>, transpose_lhs_hint = false} : vector<10000x128xf32>, vector<128x128xf32>, vector<10000x128xf32> -> vector<10000x128xf32>
    %get3A_16 = arith.constant 0 : index
    %get3A_17 = arith.constant 0 : index
    %get3A_18 = vector.load %arg3[%get3A_16, %get3A_17] : memref<1x128xf32, #tpu.memory_space<vmem>>, vector<1x128xf32>
    %add3A = vector.broadcast %get3A_18 : vector<1x128xf32> to vector<10000x128xf32>
    %add3A_19 = arith.addf %dot_general3A_15, %add3A : vector<10000x128xf32>
    %swap3A = arith.constant 0 : index
    %swap3A_20 = arith.constant 0 : index
    %swap3A_21 = vector.load %arg4[%swap3A, %swap3A_20] : memref<10000x128xf32, #tpu.memory_space<vmem>>, vector<10000x128xf32>
    tpu.vector_store %arg4[%swap3A, %swap3A_20], %add3A_19 {strides = array<i32>} : memref<10000x128xf32, #tpu.memory_space<vmem>>, vector<10000x128xf32>,
    return
  }
}

</mosaic_0001>

<sc_bundles>
// kernel: kernel.6.cloned.1.call-start
scs
__scs_entry_jumppad:
0x0: {  	(pc) =	sbr.rel $0x88, $3  }
0x1: {  	(tag) =	ssettag $0x0;
	lr =	simm.s32 $0x1  }
0x2: {  	[smem:$0x3F9D] =	sst lr;
	_ =	strace $0xD0000000  }
0x3: {  	_ = 	snop  }
0x4: {  	_ = 	snop  }
0x5: {  	_ = 	snop  }
0x6: {  	_ = 	snop  }
0x7: {  	_ = 	snop  }
__scs_overlays_trampoline_lowered:
0x8: {  	[smem:$0x3FAC] =	sst s0  }
0x9: {  	[smem:$0x3FAD] =	sst s1  }
0xa: {  	[smem:$0x3FAE] =	sst s2  }
0xb: {  	[smem:$0x3FAF] =	sst s3  }
0xc: {  	[smem:$0x3FB0] =	sst s4  }
0xd: {  	[smem:$0x3FB1] =	sst s5  }
0xe: {  	[smem:$0x3FB2] =	sst s6  }
0xf: {  	[smem:$0x3FB3] =	sst s7  }
0x10: {  	[smem:$0x3FB4] =	sst s8  }
0x11: {  	[smem:$0x3FB5] =	sst s9;
	s0 =	simm.s32 @!p0 $0x0  }
0x12: {  	s1 =	sld [smem:$0x3F9B];
	s0 =	simm.s32 @p0 $0x1  }
0x13: {  	[smem:$0x3FB6] =	sst s0;
	s0 =	simm.s32 @!p1 $0x0  }
0x14: {  	s2 =	sld [smem:$0x3F9A];
	s0 =	simm.s32 @p1 $0x1  }
0x15: {  	[smem:$0x3FB7] =	sst s0;
	s0 =	simm.s32 @!p2 $0x0  }
0x16: {  	s3 =	sld [smem:$0x3FDB];
	s0 =	simm.s32 @p2 $0x1  }
0x17: {  	s4 =	simm.s32 $0x1BF5;
	[smem:$0x3FB9] =	sst s0  }
0x18: {  	s0 =	sld [smem:$0x3F9C];
	_ =	swait.ge [sflag:s4], $0x0  }
0x19: {  	s7 =	sld [smem:$0x3F9D]  }
0x1a: {  	s8 =	sadd.s32 $0xFFFFE003, lr  }
0x1b: {  	s9 =	sadd.s32 $0xFFFFFEF7, lr;
	s5 =	simm.s32 $0xFFFFFFFF;
	p2 =	slt.u32 s8, $0xFFFFF086  }
0x1c: {  	p1 =	slt.u32 s9, $0xF7A;
	s5 =	simm.s32 @!p2 $0x0  }
0x1d: {  	s5 =	simm.s32 @p1 $0x1;
	p0 =	seq.s32 s7, s2  }
0x1e: {  	s7 =	smul.u32 @!p0 $0xF7A, s2;
	p2 =	seq.s32 @!p0 s5, $0x0  }
0x1f: {  	s9 =	smul.u32 $0xF7A, s1;
	s8 =	simm.s32 @!p0 $0x1BF5;
	p2 =	por !p2, p0  }
0x20: {  	[sflag:s8] =	ssyncset.s32 @!p0 $0xFFFFF086;
	s6 =	sadd.s32 @!p0 s3, s7;
	s7 =	simm.s32 @!p0 $0x108  }
0x21: {  	s3 =	sadd.s32 s3, s9;
	s6 =	sadd.s32 @!p0 $0x88, s6;
	s7 =	simm.s32 @p2 $0x1082  }
0x22: {  	[simem:s7], [sflag:s8] =	dma.local @!p0 [hbm:s6], $0xF7A  }
0x23: {  	s9 =	sor.u32 $0xD0000000, s2;
	s6 =	simm.s32 $0x108;
	_ =	swait.ge @!p0 [sflag:s8], $0x0  }
0x24: {  	s3 =	sadd.s32 $0x88, s3;
	s6 =	simm.s32 @!p1 $0x1082;
	[sflag:s4] =	ssyncset.s32 $0xFFFFF086  }
0x25: {  	[simem:s6], [sflag:s4] =	dma.local [hbm:s3], $0xF7A  }
0x26: {  	[smem:$0x3F9D] =	sst s1;
	(tag) =	ssettag s2;
	_ =	strace s9  }
0x27: {  	s1 =	sld [smem:$0x3FAD]  }
0x28: {  	s2 =	sld [smem:$0x3FAE]  }
0x29: {  	s4 =	sld [smem:$0x3FB0]  }
0x2a: {  	p0 =	seq.s32 s5, $0x0;
	s5 =	sld [smem:$0x3FB1]  }
0x2b: {  	s6 =	sld [smem:$0x3FB2]  }
0x2c: {  	s7 =	sld [smem:$0x3FB3]  }
0x2d: {  	s3 =	simm.s32 $0x108;
	s8 =	sld [smem:$0x3FB4]  }
0x2e: {  	s3 =	simm.s32 @!p0 $0x1082;
	s9 =	sld [smem:$0x3FB5]  }
0x2f: {  	lr =	sadd.s32 s0, s3;
	s0 =	sld [smem:$0x3FAC]  }
0x30: {  	s3 =	sld [smem:$0x3FAF]  }
0x31: {  	[smem:$0x3FB8] =	sst s10  }
0x32: {  	s10 =	sld [smem:$0x3FB6];
	_ =	sdelay $0x3  }
0x33: {  	p0 =	seq.s32 s10, $0x1;
	s10 =	sld [smem:$0x3FB8];
	_ =	sdelay $0x3  }
0x34: {  	[smem:$0x3FB8] =	sst s10  }
0x35: {  	s10 =	sld [smem:$0x3FB7];
	_ =	sdelay $0x3  }
0x36: {  	p1 =	seq.s32 s10, $0x1;
	s10 =	sld [smem:$0x3FB8];
	_ =	sdelay $0x3  }
0x37: {  	[smem:$0x3FB8] =	sst s10  }
0x38: {  	s10 =	sld [smem:$0x3FB9]  }
0x39: {  	_ = 	snop;
	(pc) =	sbr.ind lr, $3  }
0x3a: {  	_ = 	snop  }
0x3b: {  	_ = 	snop  }
0x3c: {  	p2 =	seq.s32 s10, $0x1;
	s10 =	sld [smem:$0x3FB8]  }
0x3d: {  	_ =	shalt  }
0x3e: {  	_ =	shalt  }
0x3f: {  	_ =	shalt  }
0x40: {  	_ =	shalt  }
0x41: {  	_ =	shalt  }
0x42: {  	_ =	shalt  }
0x43: {  	_ =	shalt  }
0x44: {  	_ =	shalt  }
0x45: {  	_ =	shalt  }
0x46: {  	_ =	shalt  }
0x47: {  	_ =	shalt  }
0x48: {  	_ =	shalt  }
0x49: {  	_ =	shalt  }
0x4a: {  	_ =	shalt  }
0x4b: {  	_ =	shalt  }
0x4c: {  	_ =	shalt  }
0x4d: {  	_ =	shalt  }
0x4e: {  	_ =	shalt  }
0x4f: {  	_ =	shalt  }
0x50: {  	_ =	shalt  }
0x51: {  	_ =	shalt  }
0x52: {  	_ =	shalt  }
0x53: {  	_ =	shalt  }
0x54: {  	_ =	shalt  }
0x55: {  	_ =	shalt  }
0x56: {  	_ =	shalt  }
0x57: {  	_ =	shalt  }
0x58: {  	_ =	shalt  }
0x59: {  	_ =	shalt  }
0x5a: {  	_ =	shalt  }
0x5b: {  	_ =	shalt  }
0x5c: {  	_ =	shalt  }
0x5d: {  	_ =	shalt  }
0x5e: {  	_ =	shalt  }
0x5f: {  	_ =	shalt  }
0x60: {  	_ =	shalt  }
0x61: {  	_ =	shalt  }
0x62: {  	_ =	shalt  }
0x63: {  	_ =	shalt  }
0x64: {  	_ =	shalt  }
0x65: {  	_ =	shalt  }
0x66: {  	_ =	shalt  }
0x67: {  	_ =	shalt  }
0x68: {  	_ =	shalt  }
0x69: {  	_ =	shalt  }
0x6a: {  	_ =	shalt  }
0x6b: {  	_ =	shalt  }
0x6c: {  	_ =	shalt  }
0x6d: {  	_ =	shalt  }
0x6e: {  	_ =	shalt  }
0x6f: {  	_ =	shalt  }
0x70: {  	_ =	shalt  }
0x71: {  	_ =	shalt  }
0x72: {  	_ =	shalt  }
0x73: {  	_ =	shalt  }
0x74: {  	_ =	shalt  }
0x75: {  	_ =	shalt  }
0x76: {  	_ =	shalt  }
0x77: {  	_ =	shalt  }
0x78: {  	_ =	shalt  }
0x79: {  	_ =	shalt  }
0x7a: {  	_ =	shalt  }
0x7b: {  	_ =	shalt  }
0x7c: {  	_ =	shalt  }
0x7d: {  	_ =	shalt  }
0x7e: {  	_ =	shalt  }
0x7f: {  	_ =	shalt  }
0x80: {  	_ =	shalt  }
0x81: {  	_ =	shalt  }
0x82: {  	_ =	shalt  }
0x83: {  	_ =	shalt  }
0x84: {  	_ =	shalt  }
0x85: {  	_ =	shalt  }
0x86: {  	_ =	shalt  }
0x87: {  	_ =	shalt  }
.Lfunc_end0:
.L_simem_size_0:
called_computation_lowered:
.L_overlay_start_0:
0x88: {  	s2 =	sld [smem:$0x3FD9]  }
0x89: {  	s3 =	sld [smem:$0x3FFE];
	_ =	sdelay $0x1  }
0x8a: {  	s1 =	srdreg.scid  }
0x8b: {  	s0 =	sand.u32 $0x1, s1  }
0x8c: {  	s17 =	sshll.u32 s0, $0xA;
	s2 =	sadd.s32 s3, s2  }
0x8d: {  	s2 =	sadd.s32 s2, s17  }
0x8e: {  	[smem:$0x3FC4] =	sst s2  }
0x8f: {  	_ = 	snop  }
0x90: {  	s2 =	sld [smem:$0x3FD0];
	(tm) =	ssettm $0x1  }
0x91: {  	s18 =	sld [smem:$0x3FFB];
	_ =	sdelay $0x3  }
0x92: {  	_ =	strace s18  }
0x93: {  	s3 =	sld [smem:$0x3FFC];
	_ =	sdelay $0x3  }
0x94: {  	_ =	strace s3  }
0x95: {  	s3 =	sld [smem:$0x3FFD];
	_ =	sdelay $0x3  }
0x96: {  	_ =	strace s3  }
0x97: {  	_ =	strace $0x8FFFFFFF  }
0x98: {  	s19 =	sld [smem:$0x3FDB];
	_ =	sdelay $0x1  }
0x99: {  	s4 =	simm.s32 $_scs_section_size  }
0x9a: {  	s5 =	simm.s32 $_size__tile_overlayer_lowered;
	s6 =	simm.s32 $_tile_overlayer_lowered  }
0x9b: {  	s22 =	simm.s32 $0x1BFF;
	s21 =	sshll.u32 s6, $0x1;
	s3 =	sadd.s32 s4, s19  }
0x9c: {  	s7 =	simm.s32 $0x0;
	s20 =	sshll.u32 s5, $0x1;
	s5 =	sadd.s32 s21, s3  }
0x9d: {  	[timem:s7], [sflag:s22] =	dma.local [hbm:s5], s20  }
0x9e: {  	_ =	swait.ge [sflag:s22], s20  }
0x9f: {  	s4 =	ssub.s32 $0x0, s20;
	[sflag:s22] =	ssyncset.done $0x0  }
0xa0: {  	[sflag:s22] =	ssyncadd.s32 s4;
	_ =	sdelay $0x1  }
0xa1: {  	s23 =	simm.s32 $0x1B8B  }
0xa2: {  	_ =	swait.ge [sflag:s23], $0x1  }
0xa3: {  	[sflag:s23] =	ssyncset.done $0x0  }
0xa4: {  	s25 =	simm.s32 $0x1B8E;
	s24 =	sld [smem:$0x3FFE];
	[sflag:s23] =	ssyncadd.s32 $0xFFFFFFFF  }
0xa5: {  	s26 =	simm.s32 $execute0_lowered;
	[smem:$0x3FD2] =	sst s25  }
0xa6: {  	s5 =	sshll.u32 s26, $0x1;
	_ =	strace $0x80000046;
	[dreg:$0x1] =	wrdreg $0xFFFFFFFF  }
0xa7: {  	s28 =	simm.s32 $_size_execute0_lowered;
	s3 =	sadd.s32 s3, s5;
	[dreg:$0x0] =	wrdreg $0x0  }
0xa8: {  	s5 =	sshll.u32 s28, $0x1;
	[dreg:$0x2] =	wrdreg s3  }
0xa9: {  	[dreg:$0x3] =	wrdreg s5  }
0xaa: {  	[dreg:$0x4] =	wrdreg $0xC0  }
0xab: {  	_ =	task [dreg:s7], $0x5FFFF  }
0xac: {  	[dreg:$0x1] =	wrdreg $0xFFFFFFFF  }
0xad: {  	[dreg:$0x0] =	wrdreg $0x60  }
0xae: {  	[dreg:$0x2] =	wrdreg s24  }
0xaf: {  	[dreg:$0x3] =	wrdreg s2  }
0xb0: {  	[dreg:$0x4] =	wrdreg $0x9  }
0xb1: {  	_ =	task.clear_ibuf [dreg:s7], $0x5FFFF;
	_ =	strace $0x90000046  }
0xb2: {  	s29 =	simm.s32 $0x9;
	_ =	strace $0x80000048  }
0xb3: {  	_ =	swait.ge [sflag:s29], $0x1  }
0xb4: {  	[sflag:s29] =	ssyncadd.s32 $0xFFFFFFFF  }
0xb5: {  	_ =	strace $0x90000048  }
0xb6: {  	_ =	sfence  }
0xb7: {  	s30 =	sld [smem:$0x0];
	_ =	sdelay $0x2  }
0xb8: {  	s31 =	sshll.u32 s1, $0xD;
	s1 =	sshrl.u32 s1, $0x2  }
0xb9: {  	s3 =	sand.u32 $0x4000, s31;
	s1 =	sadd.s32 s1, s30  }
0xba: {  	s0 =	sor.u32 s3, s0;
	s1 =	sshll.u32 s1, $0x11  }
0xbb: {  	s0 =	sor.u32 s1, s0  }
0xbc: {  	s0 =	sadd.s32 $0x8F2B, s0  }
0xbd: {  	[sflag:s0] =	ssyncadd.remote.s32 $0x1  }
0xbe: {  	_ =	sfence.sel $0xFFFF  }
0xbf: {  	[dreg:$0x0] =	wrdreg $0xFFFFFFFF;
	(pc) =	sbr.abs _section_cstart, $3  }
0xc0: {  	[dreg:$0x1] =	wrdreg $0xFFFFFFFF  }
0xc1: {  	_ =	task.clear_ibuf [dreg:s7], $0x2FFFF;
	_ =	strace $0x9FFFFFFF  }
0xc2: {  	(tm) =	ssettm $0x7FFFFFFF  }
0xc3: {  	_ =	shalt  }
tec
execute0_lowered:
.L_overlay_start_1:
0x0: {  	(tag) =	ssettag $0x1  }
0x1: {  	s3 =	rddreg [dreg:$0x0];
	s1 =	srdreg.scid  }
0x2: {  	s0 =	stileid.u32;
	s4 =	rddreg [dreg:$0x1];
	s10 =	simm.s32 $0x80  }
0x3: {  	s11 =	simm.s32 $0x400;
	s5 =	sand.u32 $0x1, s1;
	s2 =	sshll.u32 s0, $0x1  }
0x4: {  	s1 =	rddreg [dreg:$0x2];
	s7 =	sshrl.u32 s0, $0x2;
	s6 =	sor.u32 s5, s2  }
0x5: {  	s2 =	simm.s32 $0x0;
	s7 =	smul.u32 $0x13C00, s7;
	s8 =	sshll.u32 s6, $0x7  }
0x6: {  	s5 =	ssub.s32 $0x2, s5;
	s6 =	smul.u32 $0x2780, s6;
	s8 =	sand.u32 $0x380, s8  }
0x7: {  	[smem:$0x7FF] =	sst s2;
	s31 =	sshrl.u32 s5, $0x1;
	s7 =	sor.u32 s7, s8  }
0x8: {  	_ =	strace $0x80000047;
	s6 =	sadd.s32 s6, s3;
	s7 =	sshrl.u32 s7, $0x3  }
0x9: {  	s8 =	ssub.s32 s5, s31;
	s5 =	sadd.s32 $0x1200, s6;
	s9 =	sadd.s32 s7, s3  }
0xa: {  	s3 =	sadd.s32 $0x50200, s6;
	s4 =	sadd.s32 s4, s7;
	s7 =	smax.u32 s8, $0x1  }
0xb: {  	v0 =	vimm.f32 $0.0e+00;
	v1 =	vimm.f32 $1.000000000e+00;
	s8 =	simm.s32 $0x1;
	s6 =	sadd.s32 $0x9F200, s9;
	s9 =	simm.s32 $0x13C00  }
.LBB2_1:
0xc: {  	s12 =	simm.s32 $0x40;
	s13 =	simm.s32 $0x0  }
.LBB2_2:
0xd: {  	p0 =	sne.s32 s12, $0x9C00;
	[tilespmem:s13+$0x13C00] =	vst v0;
	s13 =	smov.u32 s12;
	s12 =	sadd.s32 $0x40, s12  }
.Ltmp0:
0xe: {  	(pc) =	sbr.rel @p0 .LBB2_2-.Ltmp0, $2  }
0xf: {  	_ =	sdelay $0x2  }
0x10: {  	s13 =	sshra.s32 s13, $0x2  }
0x11: {  	[tilespmem:s13+$0x13C00] =	vst v0;
	s12 =	simm.s32 $0x0  }
0x12: {  	[tilespmem:s12], [sflag:$0x1] =	stream.linear.gather [hbm4b:s3+s12], $0x13880, $0x38;
	[tilespmem:$0x16380] =	vst v63  }
0x13: {  	_ =	swait.ge [sflag:s8], $0x13880  }
0x14: {  	[sflag:s8] =	ssyncset.done $0x0  }
0x15: {  	s13 =	simm.s32 $0x0;
	s12 =	simm.s32 $0x200;
	[sflag:s8] =	ssyncadd.s32 $0xFFFEC780  }
.LBB2_4:
0x16: {  	p0 =	sne.s32 s12, $0x4E000;
	v2 =	vld [tilespmem:s13+$0x0];
	_ =	sdelay $0x3  }
.Ltmp1:
0x17: {  	(pc) =	sbr.rel @p0 .LBB2_4-.Ltmp1, $2  }
0x18: {  	_ =	sdelay $0x2  }
0x19: {  	s13 =	sshra.s32 s12, $0x2;
	s12 =	sadd.s32 $0x200, s12;
	[tilespmem:v2+s9+$0x0] =	vst.idx.add.f32.msk $0xffff, v1  }
0x1a: {  	v2 =	vld [tilespmem:s13+$0x0];
	_ =	sdelay $0x7  }
0x1b: {  	[tilespmem:v2+s9+$0x0] =	vst.idx.add.f32.msk $0xffff, v1  }
0x1c: {  	[hbm4b:s4+s10] =	stream.strided.scatter [tilespmem:s9], [sflag:$0x1], $0x2780, s11, s10, $0x38;
	[tilespmem:$0x16380] =	vst v63  }
0x1d: {  	_ =	swait.ge [sflag:s8], $0x2780  }
0x1e: {  	[sflag:s8] =	ssyncset.done $0x0  }
0x1f: {  	s12 =	simm.s32 $0x40;
	s13 =	simm.s32 $0x0;
	[sflag:s8] =	ssyncadd.s32 $0xFFFFD880  }
.LBB2_6:
0x20: {  	p0 =	sne.s32 s12, $0x9C00;
	[tilespmem:s13+$0x13C00] =	vst v0;
	s13 =	smov.u32 s12;
	s12 =	sadd.s32 $0x40, s12  }
.Ltmp2:
0x21: {  	(pc) =	sbr.rel @p0 .LBB2_6-.Ltmp2, $2  }
0x22: {  	_ =	sdelay $0x2  }
0x23: {  	s13 =	sshra.s32 s13, $0x2  }
0x24: {  	[tilespmem:s13+$0x13C00] =	vst v0;
	s12 =	simm.s32 $0x0  }
0x25: {  	[tilespmem:s12], [sflag:$0x1] =	stream.linear.gather [hbm4b:s5+s12], $0x13880, $0x38;
	[tilespmem:$0x16380] =	vst v63  }
0x26: {  	_ =	swait.ge [sflag:s8], $0x13880  }
0x27: {  	[sflag:s8] =	ssyncset.done $0x0  }
0x28: {  	s13 =	simm.s32 $0x0;
	s12 =	simm.s32 $0x200;
	[sflag:s8] =	ssyncadd.s32 $0xFFFEC780  }
.LBB2_8:
0x29: {  	p0 =	sne.s32 s12, $0x4E000;
	v2 =	vld [tilespmem:s13+$0x0];
	_ =	sdelay $0x3  }
.Ltmp3:
0x2a: {  	(pc) =	sbr.rel @p0 .LBB2_8-.Ltmp3, $2  }
0x2b: {  	_ =	sdelay $0x2  }
0x2c: {  	s13 =	sshra.s32 s12, $0x2;
	s12 =	sadd.s32 $0x200, s12;
	[tilespmem:v2+s9+$0x0] =	vst.idx.add.f32.msk $0xffff, v1  }
0x2d: {  	v2 =	vld [tilespmem:s13+$0x0];
	_ =	sdelay $0x5  }
0x2e: {  	s2 =	sadd.s32 $0x1, s2  }
0x2f: {  	p0 =	sne.s32 s2, s7  }
.Ltmp4:
0x30: {  	[tilespmem:v2+s9+$0x0] =	vst.idx.add.f32.msk $0xffff, v1;
	(pc) =	sbr.rel @p0 .LBB2_1-.Ltmp4, $4  }
0x31: {  	[hbm4b:s6+s10] =	stream.strided.scatter [tilespmem:s9], [sflag:$0x1], $0x2780, s11, s10, $0x38;
	[tilespmem:$0x16380] =	vst v63  }
0x32: {  	_ =	swait.ge [sflag:s8], $0x2780  }
0x33: {  	[sflag:s8] =	ssyncset.done $0x0  }
0x34: {  	[sflag:s8] =	ssyncadd.s32 $0xFFFFD880  }
0x35: {  	_ =	sfence.sel $0x180000  }
0x36: {  	[bflag:$0x0] =	sbarrier.arrive $0xFFFF  }
0x37: {  	p0 =	sne.s32 s0, $0x0;
	_ =	strace $0x90000047  }
0x38: {  	s0 =	sadd.s32 @!p0 $0x100000, s1;
	[bflag:$0x2] =	sbarrier.arrive $0xFFFF  }
0x39: {  	[sflag:s0] =	ssyncadd.tile.s32 @!p0 $0x1;
	_ =	shalt  }
.Lfunc_end2:
_tile_overlayer_lowered:
.L_overlay_start_2:
0x3a: {  	(tag) =	ssettag $0x2  }
0x3b: {  	s0 =	rddreg [dreg:$0x0];
	s2 =	stileid.u32  }
0x3c: {  	s1 =	rddreg [dreg:$0x1];
	p0 =	sne.s32 s2, $0x0  }
0x3d: {  	s3 =	rddreg [dreg:$0x2];
	[bflag:$0x3] =	sbarrier.arrive $0xFFFF;
	s2 =	simm.s32 @!p0 $0x1C01  }
0x3e: {  	[timem:s3], [sflag:s2] =	dma.local @!p0 [hbm:s0], s1  }
0x3f: {  	s0 =	simm.s32 @!p0 $0x1  }
0x40: {  	_ =	swait.ge @!p0 [sflag:s0], s1  }
0x41: {  	s1 =	ssub.s32 @!p0 $0x0, s1;
	[sflag:s0] =	ssyncset.done @!p0 $0x0  }
0x42: {  	[sflag:s0] =	ssyncadd.s32 @!p0 s1  }
0x43: {  	[bflag:$0x3] =	sbarrier.arrive $0xFFFF  }
0x44: {  	_ =	shalt  }

// kernel: kernel.9.cloned.1.call-start
scs
__scs_entry_jumppad:
0x0: {  	(pc) =	sbr.rel $0x88, $3  }
0x1: {  	(tag) =	ssettag $0x0;
	lr =	simm.s32 $0x1  }
0x2: {  	[smem:$0x3F9D] =	sst lr;
	_ =	strace $0xD0000000  }
0x3: {  	_ = 	snop  }
0x4: {  	_ = 	snop  }
0x5: {  	_ = 	snop  }
0x6: {  	_ = 	snop  }
0x7: {  	_ = 	snop  }
__scs_overlays_trampoline_lowered:
0x8: {  	[smem:$0x3FAC] =	sst s0  }
0x9: {  	[smem:$0x3FAD] =	sst s1  }
0xa: {  	[smem:$0x3FAE] =	sst s2  }
0xb: {  	[smem:$0x3FAF] =	sst s3  }
0xc: {  	[smem:$0x3FB0] =	sst s4  }
0xd: {  	[smem:$0x3FB1] =	sst s5  }
0xe: {  	[smem:$0x3FB2] =	sst s6  }
0xf: {  	[smem:$0x3FB3] =	sst s7  }
0x10: {  	[smem:$0x3FB4] =	sst s8  }
0x11: {  	[smem:$0x3FB5] =	sst s9;
	s0 =	simm.s32 @!p0 $0x0  }
0x12: {  	s1 =	sld [smem:$0x3F9B];
	s0 =	simm.s32 @p0 $0x1  }
0x13: {  	[smem:$0x3FB6] =	sst s0;
	s0 =	simm.s32 @!p1 $0x0  }
0x14: {  	s2 =	sld [smem:$0x3F9A];
	s0 =	simm.s32 @p1 $0x1  }
0x15: {  	[smem:$0x3FB7] =	sst s0;
	s0 =	simm.s32 @!p2 $0x0  }
0x16: {  	s3 =	sld [smem:$0x3FDB];
	s0 =	simm.s32 @p2 $0x1  }
0x17: {  	s4 =	simm.s32 $0x1BF5;
	[smem:$0x3FB9] =	sst s0  }
0x18: {  	s0 =	sld [smem:$0x3F9C];
	_ =	swait.ge [sflag:s4], $0x0  }
0x19: {  	s7 =	sld [smem:$0x3F9D]  }
0x1a: {  	s8 =	sadd.s32 $0xFFFFE003, lr  }
0x1b: {  	s9 =	sadd.s32 $0xFFFFFEF7, lr;
	s5 =	simm.s32 $0xFFFFFFFF;
	p2 =	slt.u32 s8, $0xFFFFF086  }
0x1c: {  	p1 =	slt.u32 s9, $0xF7A;
	s5 =	simm.s32 @!p2 $0x0  }
0x1d: {  	s5 =	simm.s32 @p1 $0x1;
	p0 =	seq.s32 s7, s2  }
0x1e: {  	s7 =	smul.u32 @!p0 $0xF7A, s2;
	p2 =	seq.s32 @!p0 s5, $0x0  }
0x1f: {  	s9 =	smul.u32 $0xF7A, s1;
	s8 =	simm.s32 @!p0 $0x1BF5;
	p2 =	por !p2, p0  }
0x20: {  	[sflag:s8] =	ssyncset.s32 @!p0 $0xFFFFF086;
	s6 =	sadd.s32 @!p0 s3, s7;
	s7 =	simm.s32 @!p0 $0x108  }
0x21: {  	s3 =	sadd.s32 s3, s9;
	s6 =	sadd.s32 @!p0 $0x88, s6;
	s7 =	simm.s32 @p2 $0x1082  }
0x22: {  	[simem:s7], [sflag:s8] =	dma.local @!p0 [hbm:s6], $0xF7A  }
0x23: {  	s9 =	sor.u32 $0xD0000000, s2;
	s6 =	simm.s32 $0x108;
	_ =	swait.ge @!p0 [sflag:s8], $0x0  }
0x24: {  	s3 =	sadd.s32 $0x88, s3;
	s6 =	simm.s32 @!p1 $0x1082;
	[sflag:s4] =	ssyncset.s32 $0xFFFFF086  }
0x25: {  	[simem:s6], [sflag:s4] =	dma.local [hbm:s3], $0xF7A  }
0x26: {  	[smem:$0x3F9D] =	sst s1;
	(tag) =	ssettag s2;
	_ =	strace s9  }
0x27: {  	s1 =	sld [smem:$0x3FAD]  }
0x28: {  	s2 =	sld [smem:$0x3FAE]  }
0x29: {  	s4 =	sld [smem:$0x3FB0]  }
0x2a: {  	p0 =	seq.s32 s5, $0x0;
	s5 =	sld [smem:$0x3FB1]  }
0x2b: {  	s6 =	sld [smem:$0x3FB2]  }
0x2c: {  	s7 =	sld [smem:$0x3FB3]  }
0x2d: {  	s3 =	simm.s32 $0x108;
	s8 =	sld [smem:$0x3FB4]  }
0x2e: {  	s3 =	simm.s32 @!p0 $0x1082;
	s9 =	sld [smem:$0x3FB5]  }
0x2f: {  	lr =	sadd.s32 s0, s3;
	s0 =	sld [smem:$0x3FAC]  }
0x30: {  	s3 =	sld [smem:$0x3FAF]  }
0x31: {  	[smem:$0x3FB8] =	sst s10  }
0x32: {  	s10 =	sld [smem:$0x3FB6];
	_ =	sdelay $0x3  }
0x33: {  	p0 =	seq.s32 s10, $0x1;
	s10 =	sld [smem:$0x3FB8];
	_ =	sdelay $0x3  }
0x34: {  	[smem:$0x3FB8] =	sst s10  }
0x35: {  	s10 =	sld [smem:$0x3FB7];
	_ =	sdelay $0x3  }
0x36: {  	p1 =	seq.s32 s10, $0x1;
	s10 =	sld [smem:$0x3FB8];
	_ =	sdelay $0x3  }
0x37: {  	[smem:$0x3FB8] =	sst s10  }
0x38: {  	s10 =	sld [smem:$0x3FB9]  }
0x39: {  	_ = 	snop;
	(pc) =	sbr.ind lr, $3  }
0x3a: {  	_ = 	snop  }
0x3b: {  	_ = 	snop  }
0x3c: {  	p2 =	seq.s32 s10, $0x1;
	s10 =	sld [smem:$0x3FB8]  }
0x3d: {  	_ =	shalt  }
0x3e: {  	_ =	shalt  }
0x3f: {  	_ =	shalt  }
0x40: {  	_ =	shalt  }
0x41: {  	_ =	shalt  }
0x42: {  	_ =	shalt  }
0x43: {  	_ =	shalt  }
0x44: {  	_ =	shalt  }
0x45: {  	_ =	shalt  }
0x46: {  	_ =	shalt  }
0x47: {  	_ =	shalt  }
0x48: {  	_ =	shalt  }
0x49: {  	_ =	shalt  }
0x4a: {  	_ =	shalt  }
0x4b: {  	_ =	shalt  }
0x4c: {  	_ =	shalt  }
0x4d: {  	_ =	shalt  }
0x4e: {  	_ =	shalt  }
0x4f: {  	_ =	shalt  }
0x50: {  	_ =	shalt  }
0x51: {  	_ =	shalt  }
0x52: {  	_ =	shalt  }
0x53: {  	_ =	shalt  }
0x54: {  	_ =	shalt  }
0x55: {  	_ =	shalt  }
0x56: {  	_ =	shalt  }
0x57: {  	_ =	shalt  }
0x58: {  	_ =	shalt  }
0x59: {  	_ =	shalt  }
0x5a: {  	_ =	shalt  }
0x5b: {  	_ =	shalt  }
0x5c: {  	_ =	shalt  }
0x5d: {  	_ =	shalt  }
0x5e: {  	_ =	shalt  }
0x5f: {  	_ =	shalt  }
0x60: {  	_ =	shalt  }
0x61: {  	_ =	shalt  }
0x62: {  	_ =	shalt  }
0x63: {  	_ =	shalt  }
0x64: {  	_ =	shalt  }
0x65: {  	_ =	shalt  }
0x66: {  	_ =	shalt  }
0x67: {  	_ =	shalt  }
0x68: {  	_ =	shalt  }
0x69: {  	_ =	shalt  }
0x6a: {  	_ =	shalt  }
0x6b: {  	_ =	shalt  }
0x6c: {  	_ =	shalt  }
0x6d: {  	_ =	shalt  }
0x6e: {  	_ =	shalt  }
0x6f: {  	_ =	shalt  }
0x70: {  	_ =	shalt  }
0x71: {  	_ =	shalt  }
0x72: {  	_ =	shalt  }
0x73: {  	_ =	shalt  }
0x74: {  	_ =	shalt  }
0x75: {  	_ =	shalt  }
0x76: {  	_ =	shalt  }
0x77: {  	_ =	shalt  }
0x78: {  	_ =	shalt  }
0x79: {  	_ =	shalt  }
0x7a: {  	_ =	shalt  }
0x7b: {  	_ =	shalt  }
0x7c: {  	_ =	shalt  }
0x7d: {  	_ =	shalt  }
0x7e: {  	_ =	shalt  }
0x7f: {  	_ =	shalt  }
0x80: {  	_ =	shalt  }
0x81: {  	_ =	shalt  }
0x82: {  	_ =	shalt  }
0x83: {  	_ =	shalt  }
0x84: {  	_ =	shalt  }
0x85: {  	_ =	shalt  }
0x86: {  	_ =	shalt  }
0x87: {  	_ =	shalt  }
.Lfunc_end0:
.L_simem_size_0:
called_computation.1_lowered:
.L_overlay_start_0:
0x88: {  	s2 =	sld [smem:$0x3FD9]  }
0x89: {  	s3 =	sld [smem:$0x3FFE];
	_ =	sdelay $0x1  }
0x8a: {  	s1 =	srdreg.scid  }
0x8b: {  	s0 =	sand.u32 $0x1, s1  }
0x8c: {  	s17 =	sshll.u32 s0, $0xA;
	s2 =	sadd.s32 s3, s2  }
0x8d: {  	s2 =	sadd.s32 s2, s17  }
0x8e: {  	[smem:$0x3FC4] =	sst s2  }
0x8f: {  	_ = 	snop  }
0x90: {  	s2 =	sld [smem:$0x3FD0];
	(tm) =	ssettm $0x1  }
0x91: {  	s18 =	sld [smem:$0x3FFB];
	_ =	sdelay $0x3  }
0x92: {  	_ =	strace s18  }
0x93: {  	s3 =	sld [smem:$0x3FFC];
	_ =	sdelay $0x3  }
0x94: {  	_ =	strace s3  }
0x95: {  	s3 =	sld [smem:$0x3FFD];
	_ =	sdelay $0x3  }
0x96: {  	_ =	strace s3  }
0x97: {  	_ =	strace $0x8FFFFFFF  }
0x98: {  	s19 =	sld [smem:$0x3FDB];
	_ =	sdelay $0x1  }
0x99: {  	s4 =	simm.s32 $_scs_section_size  }
0x9a: {  	s5 =	simm.s32 $_size__tile_overlayer_lowered;
	s6 =	simm.s32 $_tile_overlayer_lowered  }
0x9b: {  	s22 =	simm.s32 $0x1BFF;
	s21 =	sshll.u32 s6, $0x1;
	s3 =	sadd.s32 s4, s19  }
0x9c: {  	s7 =	simm.s32 $0x0;
	s20 =	sshll.u32 s5, $0x1;
	s5 =	sadd.s32 s21, s3  }
0x9d: {  	[timem:s7], [sflag:s22] =	dma.local [hbm:s5], s20  }
0x9e: {  	_ =	swait.ge [sflag:s22], s20  }
0x9f: {  	s4 =	ssub.s32 $0x0, s20;
	[sflag:s22] =	ssyncset.done $0x0  }
0xa0: {  	[sflag:s22] =	ssyncadd.s32 s4;
	_ =	sdelay $0x1  }
0xa1: {  	s23 =	simm.s32 $0x1B8B  }
0xa2: {  	_ =	swait.ge [sflag:s23], $0x1  }
0xa3: {  	[sflag:s23] =	ssyncset.done $0x0  }
0xa4: {  	s25 =	simm.s32 $0x1B8E;
	s24 =	sld [smem:$0x3FFE];
	[sflag:s23] =	ssyncadd.s32 $0xFFFFFFFF  }
0xa5: {  	s26 =	simm.s32 $execute0_lowered;
	[smem:$0x3FD2] =	sst s25  }
0xa6: {  	s5 =	sshll.u32 s26, $0x1;
	_ =	strace $0x80000049;
	[dreg:$0x1] =	wrdreg $0xFFFFFFFF  }
0xa7: {  	s28 =	simm.s32 $_size_execute0_lowered;
	s3 =	sadd.s32 s3, s5;
	[dreg:$0x0] =	wrdreg $0x0  }
0xa8: {  	s5 =	sshll.u32 s28, $0x1;
	[dreg:$0x2] =	wrdreg s3  }
0xa9: {  	[dreg:$0x3] =	wrdreg s5  }
0xaa: {  	[dreg:$0x4] =	wrdreg $0xC0  }
0xab: {  	_ =	task [dreg:s7], $0x5FFFF  }
0xac: {  	[dreg:$0x1] =	wrdreg $0xFFFFFFFF  }
0xad: {  	[dreg:$0x0] =	wrdreg $0x60  }
0xae: {  	[dreg:$0x2] =	wrdreg s2  }
0xaf: {  	[dreg:$0x3] =	wrdreg s24  }
0xb0: {  	[dreg:$0x4] =	wrdreg $0x125C00  }
0xb1: {  	[dreg:$0x5] =	wrdreg $0x9  }
0xb2: {  	_ =	task.clear_ibuf [dreg:s7], $0x6FFFF;
	_ =	strace $0x90000049  }
0xb3: {  	s29 =	simm.s32 $0x9;
	_ =	strace $0x8000004B  }
0xb4: {  	_ =	swait.ge [sflag:s29], $0x1  }
0xb5: {  	[sflag:s29] =	ssyncadd.s32 $0xFFFFFFFF  }
0xb6: {  	_ =	strace $0x9000004B  }
0xb7: {  	_ =	sfence  }
0xb8: {  	s30 =	sld [smem:$0x0];
	_ =	sdelay $0x2  }
0xb9: {  	s31 =	sshll.u32 s1, $0xD;
	s1 =	sshrl.u32 s1, $0x2  }
0xba: {  	s3 =	sand.u32 $0x4000, s31;
	s1 =	sadd.s32 s1, s30  }
0xbb: {  	s0 =	sor.u32 s3, s0;
	s1 =	sshll.u32 s1, $0x11  }
0xbc: {  	s0 =	sor.u32 s1, s0  }
0xbd: {  	s0 =	sadd.s32 $0x8F2B, s0  }
0xbe: {  	[sflag:s0] =	ssyncadd.remote.s32 $0x1  }
0xbf: {  	_ =	sfence.sel $0xFFFF  }
0xc0: {  	[dreg:$0x0] =	wrdreg $0xFFFFFFFF;
	(pc) =	sbr.abs _section_cstart, $3  }
0xc1: {  	[dreg:$0x1] =	wrdreg $0xFFFFFFFF  }
0xc2: {  	_ =	task.clear_ibuf [dreg:s7], $0x2FFFF;
	_ =	strace $0x9FFFFFFF  }
0xc3: {  	(tm) =	ssettm $0x7FFFFFFF  }
tec
execute0_lowered:
.L_overlay_start_1:
0x0: {  	(tag) =	ssettag $0x1  }
0x1: {  	s1 =	rddreg [dreg:$0x0]  }
0x2: {  	s0 =	srdreg.scid;
	s5 =	rddreg [dreg:$0x1]  }
0x3: {  	s9 =	stileid.u32;
	s3 =	rddreg [dreg:$0x2];
	s4 =	simm.s32 $0x0  }
0x4: {  	s18 =	simm.s32 $0x10680;
	s19 =	simm.s32 $0x5;
	s21 =	simm.s32 $0x64  }
0x5: {  	s22 =	simm.s32 $0xA280;
	s23 =	simm.s32 $0xBB80;
	s24 =	simm.s32 $0xD480  }
0x6: {  	s28 =	simm.s32 $0x2;
	s29 =	simm.s32 $0x3;
	s6 =	smul.u32 $0x271, s9  }
0x7: {  	s30 =	simm.s32 $0x4;
	s31 =	simm.s32 $0x0;
	s8 =	smul.u32 $0xA28, s9  }
0x8: {  	s0 =	sand.u32 $0x1, s0;
	[smem:$0x7FF] =	sst s4;
	s25 =	smul.u32 $0x27100, s9  }
0x9: {  	s2 =	sshll.u32 s0, $0x4;
	s7 =	smul.u32 $0x2710, s0;
	_ =	strace $0x8000004A  }
0xa: {  	s0 =	ssub.s32 $0x2, s0;
	s2 =	sor.u32 s9, s2;
	s8 =	sadd.s32 s8, s5  }
0xb: {  	s26 =	sshrl.u32 s0, $0x1;
	s2 =	smul.u32 $0xA28, s2;
	s6 =	sadd.s32 s7, s6  }
0xc: {  	s7 =	sshrl.u32 s25, $0x2;
	s0 =	ssub.s32 s0, s26;
	s25 =	simm.s32 $0xED80  }
0xd: {  	s26 =	simm.s32 $0x1;
	s6 =	sshll.u32 s6, $0x3;
	s2 =	sadd.s32 s2, s5  }
0xe: {  	s5 =	sadd.s32 s6, s5;
	s6 =	sadd.s32 s7, s3;
	s7 =	sadd.s32 $0xBD600, s8  }
0xf: {  	s8 =	smax.u32 s0, $0x1;
	s2 =	sadd.s32 $0xA9000, s2;
	s9 =	sadd.s32 $0x1F40, s6  }
0x10: {  	s10 =	sadd.s32 $0x3E80, s6;
	s11 =	sadd.s32 $0x5DC0, s6;
	s12 =	sadd.s32 $0x7D00, s6  }
0x11: {  	s13 =	sadd.s32 $0x1200, s5;
	s14 =	sadd.s32 $0x15E8, s5;
	s15 =	sadd.s32 $0x19D0, s5  }
0x12: {  	v0 =	vimm.f32 $0.0e+00;
	s16 =	sadd.s32 $0x1DB8, s5;
	s17 =	sadd.s32 $0x21A0, s5;
	[dreg:$0x4] =	wrdreg s2  }
.LBB2_1:
0x13: {  	s2 =	simm.s32 $0x100;
	s0 =	simm.s32 $0x0  }
.LBB2_2:
0x14: {  	p0 =	sne.s32 s2, $0x7C00;
	[tilespmem:s0+$0x106B0] =	vst v0;
	s5 =	smov.u32 s2;
	s2 =	sadd.s32 $0x100, s2  }
.Ltmp0:
0x15: {  	[tilespmem:s0+$0x106A0] =	vst v0;
	(pc) =	sbr.rel @p0 .LBB2_2-.Ltmp0, $3  }
0x16: {  	[tilespmem:s0+$0x10680] =	vst v0  }
0x17: {  	[tilespmem:s0+$0x10690] =	vst v0;
	_ =	sdelay $0x1  }
0x18: {  	s0 =	sshra.s32 s5, $0x2  }
0x19: {  	[tilespmem:s0+$0x106B0] =	vst v0  }
0x1a: {  	[tilespmem:s0+$0x106A0] =	vst v0  }
0x1b: {  	[tilespmem:s0+$0x10680] =	vst v0  }
0x1c: {  	[tilespmem:s0+$0x10690] =	vst v0  }
0x1d: {  	[spmem:s6] =	stream.linear.scatter [tilespmem:s18], [sflag:$0x5], $0x1F40, $0x38;
	[tilespmem:$0x1C200] =	vst v63  }
0x1e: {  	_ =	swait.ge [sflag:s19], $0x1F40  }
0x1f: {  	[sflag:s19] =	ssyncset.done $0x0  }
0x20: {  	[sflag:s19] =	ssyncadd.s32 $0xFFFFE0C0  }
0x21: {  	[spmem:s9] =	stream.linear.scatter [tilespmem:s18], [sflag:$0x5], $0x1F40, $0x38;
	[tilespmem:$0x1C200] =	vst v63  }
0x22: {  	_ =	swait.ge [sflag:s19], $0x1F40  }
0x23: {  	[sflag:s19] =	ssyncset.done $0x0  }
0x24: {  	[sflag:s19] =	ssyncadd.s32 $0xFFFFE0C0  }
0x25: {  	[spmem:s10] =	stream.linear.scatter [tilespmem:s18], [sflag:$0x5], $0x1F40, $0x38;
	[tilespmem:$0x1C200] =	vst v63  }
0x26: {  	_ =	swait.ge [sflag:s19], $0x1F40  }
0x27: {  	[sflag:s19] =	ssyncset.done $0x0  }
0x28: {  	[sflag:s19] =	ssyncadd.s32 $0xFFFFE0C0  }
0x29: {  	[spmem:s11] =	stream.linear.scatter [tilespmem:s18], [sflag:$0x5], $0x1F40, $0x38;
	[tilespmem:$0x1C200] =	vst v63  }
0x2a: {  	_ =	swait.ge [sflag:s19], $0x1F40  }
0x2b: {  	[sflag:s19] =	ssyncset.done $0x0  }
0x2c: {  	[sflag:s19] =	ssyncadd.s32 $0xFFFFE0C0  }
0x2d: {  	[spmem:s12] =	stream.linear.scatter [tilespmem:s18], [sflag:$0x5], $0x1F40, $0x38;
	[tilespmem:$0x1C200] =	vst v63  }
0x2e: {  	_ =	swait.ge [sflag:s19], $0x1F40  }
0x2f: {  	[sflag:s19] =	ssyncset.done $0x0  }
0x30: {  	s5 =	simm.s32 $0x0;
	s2 =	rddreg [dreg:$0x4];
	[sflag:s19] =	ssyncadd.s32 $0xFFFFE0C0  }
0x31: {  	[tilespmem:s5], [sflag:$0x5] =	stream.linear.gather [hbm4b:s2+s5], $0x5140, $0x38;
	[tilespmem:$0x1C200] =	vst v63  }
0x32: {  	_ =	swait.ge [sflag:s19], $0x5140  }
0x33: {  	[sflag:s19] =	ssyncset.done $0x0  }
0x34: {  	s20 =	simm.s32 $0x5140;
	[sflag:s19] =	ssyncadd.s32 $0xFFFFAEC0  }
0x35: {  	[tilespmem:s20], [sflag:$0x5] =	stream.linear.gather [hbm4b:s7+s5], $0x5140, $0x38;
	[tilespmem:$0x1C200] =	vst v63  }
0x36: {  	_ =	swait.ge [sflag:s19], $0x5140  }
0x37: {  	[sflag:s19] =	ssyncset.done $0x0  }
0x38: {  	[sflag:s19] =	ssyncadd.s32 $0xFFFFAEC0  }
0x39: {  	s5 =	simm.s32 $0x0;
	[bflag:$0x0] =	sbarrier.arrive $0xFFFF  }
0x3a: {  	[tilespmem:s22], [sflag:$0x1] =	stream.indirect.gather [hbm4b:s1+s21], $0x40, s5, s21, $0xb8;
	[tilespmem:$0x1C200] =	vst v63  }
0x3b: {  	s20 =	simm.s32 $0x68  }
0x3c: {  	[tilespmem:s23], [sflag:$0x2] =	stream.indirect.gather [hbm4b:s1+s21], $0x40, s20, s21, $0xb8;
	[tilespmem:$0x1C200] =	vst v63  }
0x3d: {  	s2 =	simm.s32 $0xD0  }
0x3e: {  	[tilespmem:s24], [sflag:$0x3] =	stream.indirect.gather [hbm4b:s1+s21], $0x40, s2, s21, $0xb8;
	[tilespmem:$0x1C200] =	vst v63  }
0x3f: {  	s5 =	simm.s32 $0x138  }
0x40: {  	[tilespmem:s25], [sflag:$0x4] =	stream.indirect.gather [hbm4b:s1+s21], $0x40, s5, s21, $0xb8;
	[tilespmem:$0x1C200] =	vst v63  }
0x41: {  	_ =	swait.ge [sflag:s26], $0x1900  }
0x42: {  	[sflag:s26] =	ssyncset.done $0x0  }
0x43: {  	s20 =	simm.s32 $0x5140;
	[sflag:s26] =	ssyncadd.s32 $0xFFFFE700  }
0x44: {  	[spmem:s3] =	stream.indirect.scatter.add.f32 [tilespmem:s22], [sflag:$0x5], $0x40, s20, s21, $0xb8;
	[tilespmem:$0x1C200] =	vst v63  }
0x45: {  	_ =	swait.ge [sflag:s19], $0x1900  }
0x46: {  	[sflag:s19] =	ssyncset.done $0x0  }
0x47: {  	[sflag:s19] =	ssyncadd.s32 $0xFFFFE700  }
0x48: {  	_ =	swait.ge [sflag:s28], $0x1900  }
0x49: {  	[sflag:s28] =	ssyncset.done $0x0  }
0x4a: {  	s2 =	simm.s32 $0x51A8;
	[sflag:s28] =	ssyncadd.s32 $0xFFFFE700  }
0x4b: {  	[spmem:s3] =	stream.indirect.scatter.add.f32 [tilespmem:s23], [sflag:$0x5], $0x40, s2, s21, $0xb8;
	[tilespmem:$0x1C200] =	vst v63  }
0x4c: {  	_ =	swait.ge [sflag:s19], $0x1900  }
0x4d: {  	[sflag:s19] =	ssyncset.done $0x0  }
0x4e: {  	[sflag:s19] =	ssyncadd.s32 $0xFFFFE700  }
0x4f: {  	_ =	swait.ge [sflag:s29], $0x1900  }
0x50: {  	[sflag:s29] =	ssyncset.done $0x0  }
0x51: {  	s5 =	simm.s32 $0x5210;
	[sflag:s29] =	ssyncadd.s32 $0xFFFFE700  }
0x52: {  	[spmem:s3] =	stream.indirect.scatter.add.f32 [tilespmem:s24], [sflag:$0x5], $0x40, s5, s21, $0xb8;
	[tilespmem:$0x1C200] =	vst v63  }
0x53: {  	_ =	swait.ge [sflag:s19], $0x1900  }
0x54: {  	[sflag:s19] =	ssyncset.done $0x0  }
0x55: {  	[sflag:s19] =	ssyncadd.s32 $0xFFFFE700  }
0x56: {  	_ =	swait.ge [sflag:s30], $0x1900  }
0x57: {  	[sflag:s30] =	ssyncset.done $0x0  }
0x58: {  	s20 =	simm.s32 $0x5278;
	[sflag:s30] =	ssyncadd.s32 $0xFFFFE700  }
0x59: {  	[spmem:s3] =	stream.indirect.scatter.add.f32 [tilespmem:s25], [sflag:$0x5], $0x40, s20, s21, $0xb8;
	[tilespmem:$0x1C200] =	vst v63  }
0x5a: {  	_ =	swait.ge [sflag:s19], $0x1900  }
0x5b: {  	s0 =	simm.s32 $0xD00;
	s2 =	simm.s32 $0x680;
	[sflag:s19] =	ssyncset.done $0x0  }
.LBB2_4:
0x5c: {  	s20 =	sshra.s32 s2, $0x2  }
0x5d: {  	[sflag:s19] =	ssyncadd.s32 $0xFFFFE700;
	s2 =	smov.u32 s0;
	s5 =	sadd.s32 $0x680, s0  }
0x5e: {  	[tilespmem:s22], [sflag:$0x1] =	stream.indirect.gather [hbm4b:s1+s21], $0x40, s20, s21, $0xb8;
	[tilespmem:$0x1C200] =	vst v63  }
0x5f: {  	p0 =	sne.s32 s0, $0x13E80;
	s0 =	sadd.s32 $0x68, s20  }
0x60: {  	[tilespmem:s23], [sflag:$0x2] =	stream.indirect.gather [hbm4b:s1+s21], $0x40, s0, s21, $0xb8;
	[tilespmem:$0x1C200] =	vst v63  }
0x61: {  	s0 =	sadd.s32 $0xD0, s20  }
0x62: {  	[tilespmem:s24], [sflag:$0x3] =	stream.indirect.gather [hbm4b:s1+s21], $0x40, s0, s21, $0xb8;
	[tilespmem:$0x1C200] =	vst v63  }
0x63: {  	s0 =	sadd.s32 $0x138, s20  }
0x64: {  	[tilespmem:s25], [sflag:$0x4] =	stream.indirect.gather [hbm4b:s1+s21], $0x40, s0, s21, $0xb8;
	[tilespmem:$0x1C200] =	vst v63  }
0x65: {  	_ =	swait.ge [sflag:s26], $0x1900  }
0x66: {  	[sflag:s26] =	ssyncset.done $0x0  }
0x67: {  	s0 =	sadd.s32 $0x5140, s20;
	[sflag:s26] =	ssyncadd.s32 $0xFFFFE700  }
0x68: {  	[spmem:s3] =	stream.indirect.scatter.add.f32 [tilespmem:s22], [sflag:$0x5], $0x40, s0, s21, $0xb8;
	[tilespmem:$0x1C200] =	vst v63  }
0x69: {  	_ =	swait.ge [sflag:s19], $0x1900  }
0x6a: {  	[sflag:s19] =	ssyncset.done $0x0  }
0x6b: {  	[sflag:s19] =	ssyncadd.s32 $0xFFFFE700  }
0x6c: {  	_ =	swait.ge [sflag:s28], $0x1900  }
0x6d: {  	[sflag:s28] =	ssyncset.done $0x0  }
0x6e: {  	s0 =	sadd.s32 $0x51A8, s20;
	[sflag:s28] =	ssyncadd.s32 $0xFFFFE700  }
0x6f: {  	[spmem:s3] =	stream.indirect.scatter.add.f32 [tilespmem:s23], [sflag:$0x5], $0x40, s0, s21, $0xb8;
	[tilespmem:$0x1C200] =	vst v63  }
0x70: {  	_ =	swait.ge [sflag:s19], $0x1900  }
0x71: {  	[sflag:s19] =	ssyncset.done $0x0  }
0x72: {  	[sflag:s19] =	ssyncadd.s32 $0xFFFFE700  }
0x73: {  	_ =	swait.ge [sflag:s29], $0x1900  }
0x74: {  	[sflag:s29] =	ssyncset.done $0x0  }
0x75: {  	s0 =	sadd.s32 $0x5210, s20;
	[sflag:s29] =	ssyncadd.s32 $0xFFFFE700  }
0x76: {  	[spmem:s3] =	stream.indirect.scatter.add.f32 [tilespmem:s24], [sflag:$0x5], $0x40, s0, s21, $0xb8;
	[tilespmem:$0x1C200] =	vst v63  }
0x77: {  	_ =	swait.ge [sflag:s19], $0x1900  }
0x78: {  	[sflag:s19] =	ssyncset.done $0x0  }
0x79: {  	[sflag:s19] =	ssyncadd.s32 $0xFFFFE700  }
0x7a: {  	_ =	swait.ge [sflag:s30], $0x1900  }
.Ltmp1:
0x7b: {  	[sflag:s30] =	ssyncset.done $0x0;
	(pc) =	sbr.rel @p0 .LBB2_4-.Ltmp1, $4  }
0x7c: {  	s0 =	sadd.s32 $0x5278, s20;
	[sflag:s30] =	ssyncadd.s32 $0xFFFFE700  }
0x7d: {  	[spmem:s3] =	stream.indirect.scatter.add.f32 [tilespmem:s25], [sflag:$0x5], $0x40, s0, s21, $0xb8;
	[tilespmem:$0x1C200] =	vst v63  }
0x7e: {  	_ =	swait.ge [sflag:s19], $0x1900  }
0x7f: {  	s0 =	smov.u32 s5;
	[sflag:s19] =	ssyncset.done $0x0  }
0x80: {  	s0 =	sshra.s32 s2, $0x2;
	[sflag:s19] =	ssyncadd.s32 $0xFFFFE700  }
0x81: {  	[tilespmem:s22], [sflag:$0x1] =	stream.indirect.gather [hbm4b:s1+s21], $0x40, s0, s21, $0xb8;
	[tilespmem:$0x1C200] =	vst v63  }
0x82: {  	s2 =	sadd.s32 $0x68, s0  }
0x83: {  	[tilespmem:s23], [sflag:$0x2] =	stream.indirect.gather [hbm4b:s1+s21], $0x40, s2, s21, $0xb8;
	[tilespmem:$0x1C200] =	vst v63  }
0x84: {  	s20 =	sadd.s32 $0xD0, s0  }
0x85: {  	[tilespmem:s24], [sflag:$0x3] =	stream.indirect.gather [hbm4b:s1+s21], $0x40, s20, s21, $0xb8;
	[tilespmem:$0x1C200] =	vst v63  }
0x86: {  	s5 =	sadd.s32 $0x138, s0  }
0x87: {  	[tilespmem:s25], [sflag:$0x4] =	stream.indirect.gather [hbm4b:s1+s21], $0x40, s5, s21, $0xb8;
	[tilespmem:$0x1C200] =	vst v63  }
0x88: {  	_ =	swait.ge [sflag:s26], $0x1900  }
0x89: {  	[sflag:s26] =	ssyncset.done $0x0  }
0x8a: {  	s20 =	sadd.s32 $0x5140, s0;
	[sflag:s26] =	ssyncadd.s32 $0xFFFFE700  }
0x8b: {  	[spmem:s3] =	stream.indirect.scatter.add.f32 [tilespmem:s22], [sflag:$0x5], $0x40, s20, s21, $0xb8;
	[tilespmem:$0x1C200] =	vst v63  }
0x8c: {  	_ =	swait.ge [sflag:s19], $0x1900  }
0x8d: {  	[sflag:s19] =	ssyncset.done $0x0  }
0x8e: {  	[sflag:s19] =	ssyncadd.s32 $0xFFFFE700  }
0x8f: {  	_ =	swait.ge [sflag:s28], $0x1900  }
0x90: {  	[sflag:s28] =	ssyncset.done $0x0  }
0x91: {  	s5 =	sadd.s32 $0x51A8, s0;
	[sflag:s28] =	ssyncadd.s32 $0xFFFFE700  }
0x92: {  	[spmem:s3] =	stream.indirect.scatter.add.f32 [tilespmem:s23], [sflag:$0x5], $0x40, s5, s21, $0xb8;
	[tilespmem:$0x1C200] =	vst v63  }
0x93: {  	_ =	swait.ge [sflag:s19], $0x1900  }
0x94: {  	[sflag:s19] =	ssyncset.done $0x0  }
0x95: {  	[sflag:s19] =	ssyncadd.s32 $0xFFFFE700  }
0x96: {  	_ =	swait.ge [sflag:s29], $0x1900  }
0x97: {  	[sflag:s29] =	ssyncset.done $0x0  }
0x98: {  	s20 =	sadd.s32 $0x5210, s0;
	[sflag:s29] =	ssyncadd.s32 $0xFFFFE700  }
0x99: {  	[spmem:s3] =	stream.indirect.scatter.add.f32 [tilespmem:s24], [sflag:$0x5], $0x40, s20, s21, $0xb8;
	[tilespmem:$0x1C200] =	vst v63  }
0x9a: {  	_ =	swait.ge [sflag:s19], $0x1900  }
0x9b: {  	[sflag:s19] =	ssyncset.done $0x0  }
0x9c: {  	[sflag:s19] =	ssyncadd.s32 $0xFFFFE700  }
0x9d: {  	_ =	swait.ge [sflag:s30], $0x1900  }
0x9e: {  	[sflag:s30] =	ssyncset.done $0x0  }
0x9f: {  	s0 =	sadd.s32 $0x5278, s0;
	[sflag:s30] =	ssyncadd.s32 $0xFFFFE700  }
0xa0: {  	[spmem:s3] =	stream.indirect.scatter.add.f32 [tilespmem:s25], [sflag:$0x5], $0x40, s0, s21, $0xb8;
	[tilespmem:$0x1C200] =	vst v63  }
0xa1: {  	_ =	swait.ge [sflag:s19], $0x1900  }
0xa2: {  	[sflag:s19] =	ssyncset.done $0x0  }
0xa3: {  	[sflag:s19] =	ssyncadd.s32 $0xFFFFE700  }
0xa4: {  	[bflag:$0x0] =	sbarrier.arrive $0xFFFF  }
0xa5: {  	[tilespmem:s18], [sflag:$0x5] =	stream.linear.gather [spmem:s6], $0x1F40, $0x38;
	[tilespmem:$0x1C200] =	vst v63  }
0xa6: {  	_ =	swait.ge [sflag:s19], $0x1F40  }
0xa7: {  	[sflag:s19] =	ssyncset.done $0x0  }
0xa8: {  	[sflag:s19] =	ssyncadd.s32 $0xFFFFE0C0  }
0xa9: {  	[hbm4b:s13+s4] =	stream.linear.scatter [tilespmem:s18], [sflag:$0x5], $0x1F40, $0x38;
	[tilespmem:$0x1C200] =	vst v63  }
0xaa: {  	_ =	swait.ge [sflag:s19], $0x1F40  }
0xab: {  	[sflag:s19] =	ssyncset.done $0x0  }
0xac: {  	[sflag:s19] =	ssyncadd.s32 $0xFFFFE0C0  }
0xad: {  	[tilespmem:s18], [sflag:$0x5] =	stream.linear.gather [spmem:s9], $0x1F40, $0x38;
	[tilespmem:$0x1C200] =	vst v63  }
0xae: {  	_ =	swait.ge [sflag:s19], $0x1F40  }
0xaf: {  	[sflag:s19] =	ssyncset.done $0x0  }
0xb0: {  	[sflag:s19] =	ssyncadd.s32 $0xFFFFE0C0  }
0xb1: {  	[hbm4b:s14+s4] =	stream.linear.scatter [tilespmem:s18], [sflag:$0x5], $0x1F40, $0x38;
	[tilespmem:$0x1C200] =	vst v63  }
0xb2: {  	_ =	swait.ge [sflag:s19], $0x1F40  }
0xb3: {  	[sflag:s19] =	ssyncset.done $0x0  }
0xb4: {  	[sflag:s19] =	ssyncadd.s32 $0xFFFFE0C0  }
0xb5: {  	[tilespmem:s18], [sflag:$0x5] =	stream.linear.gather [spmem:s10], $0x1F40, $0x38;
	[tilespmem:$0x1C200] =	vst v63  }
0xb6: {  	_ =	swait.ge [sflag:s19], $0x1F40  }
0xb7: {  	[sflag:s19] =	ssyncset.done $0x0  }
0xb8: {  	[sflag:s19] =	ssyncadd.s32 $0xFFFFE0C0  }
0xb9: {  	[hbm4b:s15+s4] =	stream.linear.scatter [tilespmem:s18], [sflag:$0x5], $0x1F40, $0x38;
	[tilespmem:$0x1C200] =	vst v63  }
0xba: {  	_ =	swait.ge [sflag:s19], $0x1F40  }
0xbb: {  	[sflag:s19] =	ssyncset.done $0x0  }
0xbc: {  	[sflag:s19] =	ssyncadd.s32 $0xFFFFE0C0  }
0xbd: {  	[tilespmem:s18], [sflag:$0x5] =	stream.linear.gather [spmem:s11], $0x1F40, $0x38;
	[tilespmem:$0x1C200] =	vst v63  }
0xbe: {  	_ =	swait.ge [sflag:s19], $0x1F40  }
0xbf: {  	[sflag:s19] =	ssyncset.done $0x0  }
0xc0: {  	[sflag:s19] =	ssyncadd.s32 $0xFFFFE0C0  }
0xc1: {  	[hbm4b:s16+s4] =	stream.linear.scatter [tilespmem:s18], [sflag:$0x5], $0x1F40, $0x38;
	[tilespmem:$0x1C200] =	vst v63  }
0xc2: {  	_ =	swait.ge [sflag:s19], $0x1F40  }
0xc3: {  	[sflag:s19] =	ssyncset.done $0x0  }
0xc4: {  	[sflag:s19] =	ssyncadd.s32 $0xFFFFE0C0  }
0xc5: {  	[tilespmem:s18], [sflag:$0x5] =	stream.linear.gather [spmem:s12], $0x1F40, $0x38;
	[tilespmem:$0x1C200] =	vst v63  }
0xc6: {  	s31 =	sadd.s32 $0x1, s31;
	_ =	swait.ge [sflag:s19], $0x1F40  }
0xc7: {  	p0 =	sne.s32 s31, s8;
	[sflag:s19] =	ssyncset.done $0x0  }
.Ltmp2:
0xc8: {  	[sflag:s19] =	ssyncadd.s32 $0xFFFFE0C0;
	(pc) =	sbr.rel @p0 .LBB2_1-.Ltmp2, $4  }
0xc9: {  	[hbm4b:s17+s4] =	stream.linear.scatter [tilespmem:s18], [sflag:$0x5], $0x1F40, $0x38;
	[tilespmem:$0x1C200] =	vst v63  }
0xca: {  	_ =	swait.ge [sflag:s19], $0x1F40  }
0xcb: {  	[sflag:s19] =	ssyncset.done $0x0  }
0xcc: {  	[sflag:s19] =	ssyncadd.s32 $0xFFFFE0C0  }
0xcd: {  	_ =	sfence.sel $0x180000  }
0xce: {  	[bflag:$0x0] =	sbarrier.arrive $0xFFFF  }
0xcf: {  	_ =	strace $0x9000004A  }
0xd0: {  	s0 =	stileid.u32;
	[bflag:$0x2] =	sbarrier.arrive $0xFFFF  }
0xd1: {  	p0 =	sne.s32 s0, $0x0;
	s0 =	rddreg [dreg:$0x3]  }
0xd2: {  	s0 =	sadd.s32 @!p0 $0x100000, s0  }
0xd3: {  	[sflag:s0] =	ssyncadd.tile.s32 @!p0 $0x1;
	_ =	shalt  }
.Lfunc_end2:
_tile_overlayer_lowered:
.L_overlay_start_2:
0xd4: {  	(tag) =	ssettag $0x2  }
0xd5: {  	s0 =	rddreg [dreg:$0x0];
	s2 =	stileid.u32  }
0xd6: {  	s1 =	rddreg [dreg:$0x1];
	p0 =	sne.s32 s2, $0x0  }
0xd7: {  	s3 =	rddreg [dreg:$0x2];
	[bflag:$0x3] =	sbarrier.arrive $0xFFFF;
	s2 =	simm.s32 @!p0 $0x1C05  }
0xd8: {  	[timem:s3], [sflag:s2] =	dma.local @!p0 [hbm:s0], s1  }
0xd9: {  	s0 =	simm.s32 @!p0 $0x5  }
0xda: {  	_ =	swait.ge @!p0 [sflag:s0], s1  }
0xdb: {  	s1 =	ssub.s32 @!p0 $0x0, s1;
	[sflag:s0] =	ssyncset.done @!p0 $0x0  }
0xdc: {  	[sflag:s0] =	ssyncadd.s32 @!p0 s1  }
0xdd: {  	[bflag:$0x3] =	sbarrier.arrive $0xFFFF  }
0xde: {  	_ =	shalt  }

</sc_bundles>
